<compile_context>
chip_gen: v7x
topology: tpu7x:2x2x1
jax: 0.10.2.dev20260603
libtpu: 0.0.44.dev20260713+nightly
codegen_flags: <defaults>
</compile_context>

<pallas_src>
import functools

import jax
import jax.numpy as jnp
from jax import lax
from jax.experimental import pallas as pl
from jax.experimental.pallas import tpu as pltpu
from jax.experimental.pallas import tpu_sc as plsc

VOCAB = 1000000
DIM = 64
WORLD_SIZE = 4
RANK = 0
PART = VOCAB // WORLD_SIZE
START = RANK * PART
END = START + PART

NUM_CORES = 2
NUM_SUBCORES = 16
NUM_WORKERS = NUM_CORES * NUM_SUBCORES
LANES = 16

CHUNK = 640
SUBC = 128
SUB = CHUNK // SUBC
IGNORED = -1


def _sc_gather(n_idx):
    per_w = n_idx // NUM_WORKERS
    n_super = per_w // CHUNK
    n_half = n_super // 2
    assert per_w % CHUNK == 0 and n_super % 2 == 0 and per_w % LANES == 0

    mesh = plsc.VectorSubcoreMesh(core_axis_name="c", subcore_axis_name="s")

    @functools.partial(
        pl.kernel,
        out_type=jax.ShapeDtypeStruct((n_idx, DIM), jnp.float32),
        mesh=mesh,
        scratch_types=[
            pltpu.VMEM((per_w,), jnp.int32),
            pltpu.VMEM((CHUNK, DIM), jnp.float32),
            pltpu.VMEM((CHUNK, DIM), jnp.float32),
            pltpu.SemaphoreType.DMA,
            pltpu.SemaphoreType.DMA,
        ],
        compiler_params=pltpu.CompilerParams(use_tc_tiling_on_sc=False),
    )
    def k(idx_hbm, table_hbm, out_hbm, idx_v, rows0, rows1, sem0, sem1):
        wid = lax.axis_index("s") * NUM_CORES + lax.axis_index("c")
        base = wid * per_w

        pltpu.sync_copy(idx_hbm.at[pl.ds(base, per_w)], idx_v)

        def remap(i, carry):
            v = idx_v[pl.ds(i * LANES, LANES)]
            m = (v < START) | (v >= END)
            idx_v[pl.ds(i * LANES, LANES)] = jnp.where(m, IGNORED, v - START)
            return carry

        lax.fori_loop(0, per_w // LANES, remap, 0, unroll=4)

        zeros = jnp.zeros((LANES,), jnp.float32)

        def zero_buf(buf):
            def z(j, carry):
                buf[j // (DIM // LANES), pl.ds((j % (DIM // LANES)) * LANES, LANES)] = zeros
                return carry

            lax.fori_loop(0, CHUNK * DIM // LANES, z, 0, unroll=8)

        def gather_src(c, s):
            return table_hbm.at[
                plsc.Indices(
                    idx_v.at[pl.ds(c * CHUNK + s * SUBC, SUBC)],
                    ignored_value=IGNORED,
                )
            ]

        def start_gathers(c, buf, sem):
            for s in range(SUB):
                pltpu.async_copy(
                    gather_src(c, s), buf.at[pl.ds(s * SUBC, SUBC)], sem
                )

        def wait_gathers(c, buf, sem):
            for s in range(SUB):
                pltpu.make_async_copy(
                    gather_src(c, s), buf.at[pl.ds(s * SUBC, SUBC)], sem
                ).wait()

        def write_out(c, buf):
            pltpu.sync_copy(buf, out_hbm.at[pl.ds(base + c * CHUNK, CHUNK)])

        zero_buf(rows0)
        zero_buf(rows1)
        start_gathers(0, rows0, sem0)

        def body(i, carry):
            c0 = 2 * i
            start_gathers(c0 + 1, rows1, sem1)
            wait_gathers(c0, rows0, sem0)
            write_out(c0, rows0)

            @pl.when(i < n_half - 1)
            def _():
                zero_buf(rows0)
                start_gathers(c0 + 2, rows0, sem0)

            wait_gathers(c0 + 1, rows1, sem1)
            write_out(c0 + 1, rows1)

            @pl.when(i < n_half - 1)
            def _():
                zero_buf(rows1)

            return carry

        lax.fori_loop(0, n_half, body, 0)

    return k


def kernel(x, weight):
    n_idx = x.shape[0] * x.shape[1]
    x_flat = x.reshape(n_idx).astype(jnp.int32)
    out = _sc_gather(n_idx)(x_flat, weight)
    return out.reshape(x.shape[0], x.shape[1], DIM)

# --- scband reference (transcript-rebuilt; emitter-appended) ---
"""Pipeline reference for scband-parallel-embedding-5291399709250 (READ-ONLY COPY).

The authoritative reference and input builder live on the scoring server;
editing this copy changes nothing except your own understanding.
"""

import jax, jax.numpy as jnp
import numpy as np

VOCAB = 1000000
DIM = 64
WORLD_SIZE = 4
RANK = 0
PART = VOCAB // WORLD_SIZE
START = RANK * PART
END = START + PART
BATCH = 16384
HIST = 50


def setup_inputs(seed: int = 0) -> dict:
    key = jax.random.key(seed)
    k1, k2 = jax.random.split(key)
    x = jax.random.randint(k1, (BATCH, HIST), 0, VOCAB)
    weight = jax.random.normal(k2, (PART, DIM), dtype=jnp.float32) * 0.02
    return {"x": x, "weight": weight}


def reference(x, weight):
    # world_size > 1 path: mask indices outside this rank's vocab shard
    mask = (x < START) | (x >= END)
    x_local = x - START
    x_local = jnp.where(mask, 0, x_local)
    # F.embedding -> row gather from the local table shard
    y = jnp.take(weight, x_local, axis=0)
    # zero out rows for out-of-shard indices (all_reduce across ranks omitted:
    # single-process reference returns this rank's partial result)
    y = jnp.where(mask[..., None], 0.0, y)
    return y

if __name__ == "__main__":
    import jax
    _d = setup_inputs()
    print(jax.jit(kernel)(*tuple(_d.values())))

</pallas_src>

<mosaic_0001>
#map = affine_map<(d0, d1) -> (0)>
#map1 = affine_map<(d0, d1) -> (0, 0)>
module attributes {stable_mosaic.version = 14 : i64} {
  func.func @k(%arg0: i32, %arg1: i32, %arg2: memref<819200xi32, #tpu.memory_space<hbm>>, %arg3: memref<250000x64xf32, #tpu.memory_space<hbm>>, %arg4: memref<819200x64xf32, #tpu.memory_space<hbm>>, %arg5: memref<25600xi32, #tpu.memory_space<vmem>>, %arg6: memref<640x64xf32, #tpu.memory_space<vmem>>, %arg7: memref<640x64xf32, #tpu.memory_space<vmem>>, %arg8: memref<!tpu.dma_semaphore, #tpu.memory_space<semaphore_mem>>, %arg9: memref<!tpu.dma_semaphore, #tpu.memory_space<semaphore_mem>>) attributes {dimension_semantics = [#tpu.dimension_semantics<core_parallel>, #tpu.dimension_semantics<subcore_parallel>], iteration_bounds = array<i64: 2, 16>, scalar_prefetch = 0 : i64, scratch_operands = 5 : i64, tpu.core_type = #tpu.core_type<sc_vector_subcore>, window_params = [{transform_indices = #map}, {transform_indices = #map1}, {transform_indices = #map1}]} {
    %mul3A = arith.constant 2 : i32
    %mul3A_0 = arith.muli %arg1, %mul3A : i32
    %add3A = arith.addi %mul3A_0, %arg0 : i32
    %mul3A_1 = arith.constant 25600 : i32
    %mul3A_2 = arith.muli %add3A, %mul3A_1 : i32
    "tpu.region"() ({
      %run_scoped3A = tpu.sem_alloc : memref<!tpu.dma_semaphore, #tpu.memory_space<semaphore_mem>>
      %dma_start3A_71 = tpu.memref_slice %arg2[%mul3A_2] : memref<819200xi32, #tpu.memory_space<hbm>> -> memref<25600xi32, #tpu.memory_space<hbm>>
      %dma_start3A_72 = tpu.memref_slice %arg2[%mul3A_2] : memref<819200xi32, #tpu.memory_space<hbm>> -> memref<25600xi32, #tpu.memory_space<hbm>>
      tpu.enqueue_dma source(%dma_start3A_72 : memref<25600xi32, #tpu.memory_space<hbm>>) target(%arg5 : memref<25600xi32, #tpu.memory_space<vmem>>) target_semaphore(%run_scoped3A : memref<!tpu.dma_semaphore, #tpu.memory_space<semaphore_mem>>)
      %dma_wait3A = tpu.memref_slice %arg2[%mul3A_2] : memref<819200xi32, #tpu.memory_space<hbm>> -> memref<25600xi32, #tpu.memory_space<hbm>>
      %dma_wait3A_73 = tpu.memref_slice %arg2[%mul3A_2] : memref<819200xi32, #tpu.memory_space<hbm>> -> memref<25600xi32, #tpu.memory_space<hbm>>
      tpu.wait_dma2 semaphore(%run_scoped3A : memref<!tpu.dma_semaphore, #tpu.memory_space<semaphore_mem>>) src(%dma_wait3A_73 : memref<25600xi32, #tpu.memory_space<hbm>>) dst(%arg5 : memref<25600xi32, #tpu.memory_space<vmem>>)
      tpu.yield
    }) : () -> ()
    %scan3A = arith.constant 0 : i32
    %scan3A_3 = arith.constant 0 : i32
    %scan3A_4 = arith.constant 1600 : i32
    %scan3A_5 = arith.addi %scan3A_3, %scan3A_4 : i32
    %scan3A_6 = arith.constant 4 : i32
    scf.for %scan3A_71 = %scan3A_3 to %scan3A_5 step %scan3A_6  : i32 {
      %mul3A_72 = arith.constant 16 : i32
      %mul3A_73 = arith.muli %scan3A_71, %mul3A_72 : i32
      %get3A = arith.index_cast %mul3A_73 : i32 to index
      %get3A_74 = tpu.vector_load %arg5[%get3A] {strides = array<i32>} : memref<25600xi32, #tpu.memory_space<vmem>>, vector<16xi32>,
      %get3A_75 = vector.shape_cast %get3A_74 : vector<16xi32> to vector<16xi32>
      %lt3A = arith.constant 0 : i32
      %lt3A_76 = vector.broadcast %lt3A : i32 to vector<16xi32>
      %lt3A_77 = arith.cmpi slt, %get3A_75, %lt3A_76 : vector<16xi32>
      %ge3A = arith.constant 250000 : i32
      %ge3A_78 = vector.broadcast %ge3A : i32 to vector<16xi32>
      %ge3A_79 = arith.cmpi sge, %get3A_75, %ge3A_78 : vector<16xi32>
      %or3A = arith.ori %lt3A_77, %ge3A_79 : vector<16xi1>
      %sub3A = arith.constant 0 : i32
      %sub3A_80 = vector.broadcast %sub3A : i32 to vector<16xi32>
      %sub3A_81 = arith.subi %get3A_75, %sub3A_80 : vector<16xi32>
      %jit3A = arith.constant -1 : i32
      %broadcast_in_dim3A_82 = vector.broadcast %jit3A : i32 to vector<16xi32>
      %select_n3A = arith.select %or3A, %broadcast_in_dim3A_82, %sub3A_81 : vector<16xi1>, vector<16xi32>
      %mul3A_83 = arith.constant 16 : i32
      %mul3A_84 = arith.muli %scan3A_71, %mul3A_83 : i32
      %swap3A = arith.index_cast %mul3A_84 : i32 to index
      %swap3A_85 = tpu.vector_load %arg5[%swap3A] {strides = array<i32>} : memref<25600xi32, #tpu.memory_space<vmem>>, vector<16xi32>,
      %swap3A_86 = vector.shape_cast %swap3A_85 : vector<16xi32> to vector<16xi32>
      %swap3A_87 = vector.shape_cast %select_n3A : vector<16xi32> to vector<16xi32>
      tpu.vector_store %arg5[%swap3A], %swap3A_87 {strides = array<i32>} : memref<25600xi32, #tpu.memory_space<vmem>>, vector<16xi32>,
      %scan3A_88 = arith.constant 1 : i32
      %scan3A_89 = arith.addi %scan3A_71, %scan3A_88 : i32
      %mul3A_90 = arith.constant 16 : i32
      %mul3A_91 = arith.muli %scan3A_89, %mul3A_90 : i32
      %get3A_92 = arith.index_cast %mul3A_91 : i32 to index
      %get3A_93 = tpu.vector_load %arg5[%get3A_92] {strides = array<i32>} : memref<25600xi32, #tpu.memory_space<vmem>>, vector<16xi32>,
      %get3A_94 = vector.shape_cast %get3A_93 : vector<16xi32> to vector<16xi32>
      %lt3A_95 = arith.constant 0 : i32
      %lt3A_96 = vector.broadcast %lt3A_95 : i32 to vector<16xi32>
      %lt3A_97 = arith.cmpi slt, %get3A_94, %lt3A_96 : vector<16xi32>
      %ge3A_98 = arith.constant 250000 : i32
      %ge3A_99 = vector.broadcast %ge3A_98 : i32 to vector<16xi32>
      %ge3A_100 = arith.cmpi sge, %get3A_94, %ge3A_99 : vector<16xi32>
      %or3A_101 = arith.ori %lt3A_97, %ge3A_100 : vector<16xi1>
      %sub3A_102 = arith.constant 0 : i32
      %sub3A_103 = vector.broadcast %sub3A_102 : i32 to vector<16xi32>
      %sub3A_104 = arith.subi %get3A_94, %sub3A_103 : vector<16xi32>
      %jit3A_105 = arith.constant -1 : i32
      %broadcast_in_dim3A_106 = vector.broadcast %jit3A_105 : i32 to vector<16xi32>
      %select_n3A_107 = arith.select %or3A_101, %broadcast_in_dim3A_106, %sub3A_104 : vector<16xi1>, vector<16xi32>
      %mul3A_108 = arith.constant 16 : i32
      %mul3A_109 = arith.muli %scan3A_89, %mul3A_108 : i32
      %swap3A_110 = arith.index_cast %mul3A_109 : i32 to index
      %swap3A_111 = tpu.vector_load %arg5[%swap3A_110] {strides = array<i32>} : memref<25600xi32, #tpu.memory_space<vmem>>, vector<16xi32>,
      %swap3A_112 = vector.shape_cast %swap3A_111 : vector<16xi32> to vector<16xi32>
      %swap3A_113 = vector.shape_cast %select_n3A_107 : vector<16xi32> to vector<16xi32>
      tpu.vector_store %arg5[%swap3A_110], %swap3A_113 {strides = array<i32>} : memref<25600xi32, #tpu.memory_space<vmem>>, vector<16xi32>,
      %scan3A_114 = arith.constant 2 : i32
      %scan3A_115 = arith.addi %scan3A_71, %scan3A_114 : i32
      %mul3A_116 = arith.constant 16 : i32
      %mul3A_117 = arith.muli %scan3A_115, %mul3A_116 : i32
      %get3A_118 = arith.index_cast %mul3A_117 : i32 to index
      %get3A_119 = tpu.vector_load %arg5[%get3A_118] {strides = array<i32>} : memref<25600xi32, #tpu.memory_space<vmem>>, vector<16xi32>,
      %get3A_120 = vector.shape_cast %get3A_119 : vector<16xi32> to vector<16xi32>
      %lt3A_121 = arith.constant 0 : i32
      %lt3A_122 = vector.broadcast %lt3A_121 : i32 to vector<16xi32>
      %lt3A_123 = arith.cmpi slt, %get3A_120, %lt3A_122 : vector<16xi32>
      %ge3A_124 = arith.constant 250000 : i32
      %ge3A_125 = vector.broadcast %ge3A_124 : i32 to vector<16xi32>
      %ge3A_126 = arith.cmpi sge, %get3A_120, %ge3A_125 : vector<16xi32>
      %or3A_127 = arith.ori %lt3A_123, %ge3A_126 : vector<16xi1>
      %sub3A_128 = arith.constant 0 : i32
      %sub3A_129 = vector.broadcast %sub3A_128 : i32 to vector<16xi32>
      %sub3A_130 = arith.subi %get3A_120, %sub3A_129 : vector<16xi32>
      %jit3A_131 = arith.constant -1 : i32
      %broadcast_in_dim3A_132 = vector.broadcast %jit3A_131 : i32 to vector<16xi32>
      %select_n3A_133 = arith.select %or3A_127, %broadcast_in_dim3A_132, %sub3A_130 : vector<16xi1>, vector<16xi32>
      %mul3A_134 = arith.constant 16 : i32
      %mul3A_135 = arith.muli %scan3A_115, %mul3A_134 : i32
      %swap3A_136 = arith.index_cast %mul3A_135 : i32 to index
      %swap3A_137 = tpu.vector_load %arg5[%swap3A_136] {strides = array<i32>} : memref<25600xi32, #tpu.memory_space<vmem>>, vector<16xi32>,
      %swap3A_138 = vector.shape_cast %swap3A_137 : vector<16xi32> to vector<16xi32>
      %swap3A_139 = vector.shape_cast %select_n3A_133 : vector<16xi32> to vector<16xi32>
      tpu.vector_store %arg5[%swap3A_136], %swap3A_139 {strides = array<i32>} : memref<25600xi32, #tpu.memory_space<vmem>>, vector<16xi32>,
      %scan3A_140 = arith.constant 3 : i32
      %scan3A_141 = arith.addi %scan3A_71, %scan3A_140 : i32
      %mul3A_142 = arith.constant 16 : i32
      %mul3A_143 = arith.muli %scan3A_141, %mul3A_142 : i32
      %get3A_144 = arith.index_cast %mul3A_143 : i32 to index
      %get3A_145 = tpu.vector_load %arg5[%get3A_144] {strides = array<i32>} : memref<25600xi32, #tpu.memory_space<vmem>>, vector<16xi32>,
      %get3A_146 = vector.shape_cast %get3A_145 : vector<16xi32> to vector<16xi32>
      %lt3A_147 = arith.constant 0 : i32
      %lt3A_148 = vector.broadcast %lt3A_147 : i32 to vector<16xi32>
      %lt3A_149 = arith.cmpi slt, %get3A_146, %lt3A_148 : vector<16xi32>
      %ge3A_150 = arith.constant 250000 : i32
      %ge3A_151 = vector.broadcast %ge3A_150 : i32 to vector<16xi32>
      %ge3A_152 = arith.cmpi sge, %get3A_146, %ge3A_151 : vector<16xi32>
      %or3A_153 = arith.ori %lt3A_149, %ge3A_152 : vector<16xi1>
      %sub3A_154 = arith.constant 0 : i32
      %sub3A_155 = vector.broadcast %sub3A_154 : i32 to vector<16xi32>
      %sub3A_156 = arith.subi %get3A_146, %sub3A_155 : vector<16xi32>
      %jit3A_157 = arith.constant -1 : i32
      %broadcast_in_dim3A_158 = vector.broadcast %jit3A_157 : i32 to vector<16xi32>
      %select_n3A_159 = arith.select %or3A_153, %broadcast_in_dim3A_158, %sub3A_156 : vector<16xi1>, vector<16xi32>
      %mul3A_160 = arith.constant 16 : i32
      %mul3A_161 = arith.muli %scan3A_141, %mul3A_160 : i32
      %swap3A_162 = arith.index_cast %mul3A_161 : i32 to index
      %swap3A_163 = tpu.vector_load %arg5[%swap3A_162] {strides = array<i32>} : memref<25600xi32, #tpu.memory_space<vmem>>, vector<16xi32>,
      %swap3A_164 = vector.shape_cast %swap3A_163 : vector<16xi32> to vector<16xi32>
      %swap3A_165 = vector.shape_cast %select_n3A_159 : vector<16xi32> to vector<16xi32>
      tpu.vector_store %arg5[%swap3A_162], %swap3A_165 {strides = array<i32>} : memref<25600xi32, #tpu.memory_space<vmem>>, vector<16xi32>,
    }
    %scan3A_7 = arith.constant 1600 : i32
    %broadcast_in_dim3A = arith.constant 0.000000e+00 : f32
    %broadcast_in_dim3A_8 = vector.broadcast %broadcast_in_dim3A : f32 to vector<16xf32>
    %scan3A_9 = arith.constant 0 : i32
    %scan3A_10 = arith.constant 0 : i32
    %scan3A_11 = arith.constant 2560 : i32
    %scan3A_12 = arith.addi %scan3A_10, %scan3A_11 : i32
    %scan3A_13 = arith.constant 8 : i32
    scf.for %scan3A_71 = %scan3A_10 to %scan3A_12 step %scan3A_13  : i32 {
      %jit3A = arith.constant 4 : i32
      %div3A = arith.divsi %scan3A_71, %jit3A : i32
      %sign3A = arith.constant 0 : i32
      %sign3A_72 = arith.cmpi sgt, %scan3A_71, %sign3A : i32
      %sign3A_73 = arith.extui %sign3A_72 : i1 to i32
      %sign3A_74 = arith.constant 0 : i32
      %sign3A_75 = arith.cmpi slt, %scan3A_71, %sign3A_74 : i32
      %sign3A_76 = arith.extui %sign3A_75 : i1 to i32
      %sign3A_77 = arith.subi %sign3A_73, %sign3A_76 : i32
      %sign3A_78 = arith.constant 0 : i32
      %sign3A_79 = arith.cmpi sgt, %jit3A, %sign3A_78 : i32
      %sign3A_80 = arith.extui %sign3A_79 : i1 to i32
      %sign3A_81 = arith.constant 0 : i32
      %sign3A_82 = arith.cmpi slt, %jit3A, %sign3A_81 : i32
      %sign3A_83 = arith.extui %sign3A_82 : i1 to i32
      %sign3A_84 = arith.subi %sign3A_80, %sign3A_83 : i32
      %ne3A = arith.cmpi ne, %sign3A_77, %sign3A_84 : i32
      %rem3A = arith.remsi %scan3A_71, %jit3A : i32
      %ne3A_85 = arith.constant 0 : i32
      %ne3A_86 = arith.cmpi ne, %rem3A, %ne3A_85 : i32
      %and3A = arith.andi %ne3A, %ne3A_86 : i1
      %sub3A = arith.constant 1 : i32
      %sub3A_87 = arith.subi %div3A, %sub3A : i32
      %select_n3A = arith.select %and3A, %sub3A_87, %div3A : i32
      %jit3A_88 = arith.constant 4 : i32
      %eq3A = arith.constant 0 : i32
      %eq3A_89 = arith.cmpi eq, %jit3A_88, %eq3A : i32
      %jit3A_90 = arith.constant 1 : i32
      %select_n3A_91 = arith.select %eq3A_89, %jit3A_90, %jit3A_88 : i32
      %rem3A_92 = arith.remsi %scan3A_71, %select_n3A_91 : i32
      %ne3A_93 = arith.constant 0 : i32
      %ne3A_94 = arith.cmpi ne, %rem3A_92, %ne3A_93 : i32
      %lt3A = arith.constant 0 : i32
      %lt3A_95 = arith.cmpi slt, %rem3A_92, %lt3A : i32
      %lt3A_96 = arith.constant 0 : i32
      %lt3A_97 = arith.cmpi slt, %select_n3A_91, %lt3A_96 : i32
      %ne3A_98 = arith.xori %lt3A_95, %lt3A_97 : i1
      %and3A_99 = arith.andi %ne3A_98, %ne3A_94 : i1
      %add3A_100 = arith.addi %rem3A_92, %select_n3A_91 : i32
      %select_n3A_101 = arith.select %and3A_99, %add3A_100, %rem3A_92 : i32
      %mul3A_102 = arith.constant 16 : i32
      %mul3A_103 = arith.muli %select_n3A_101, %mul3A_102 : i32
      %swap3A = arith.index_cast %select_n3A : i32 to index
      %swap3A_104 = arith.index_cast %mul3A_103 : i32 to index
      %swap3A_105 = tpu.vector_load %arg6[%swap3A, %swap3A_104] {strides = array<i32>} : memref<640x64xf32, #tpu.memory_space<vmem>>, vector<1x16xf32>,
      %swap3A_106 = vector.shape_cast %swap3A_105 : vector<1x16xf32> to vector<16xf32>
      %swap3A_107 = vector.shape_cast %broadcast_in_dim3A_8 : vector<16xf32> to vector<1x16xf32>
      tpu.vector_store %arg6[%swap3A, %swap3A_104], %swap3A_107 {strides = array<i32>} : memref<640x64xf32, #tpu.memory_space<vmem>>, vector<1x16xf32>,
      %scan3A_108 = arith.constant 1 : i32
      %scan3A_109 = arith.addi %scan3A_71, %scan3A_108 : i32
      %jit3A_110 = arith.constant 4 : i32
      %div3A_111 = arith.divsi %scan3A_109, %jit3A_110 : i32
      %sign3A_112 = arith.constant 0 : i32
      %sign3A_113 = arith.cmpi sgt, %scan3A_109, %sign3A_112 : i32
      %sign3A_114 = arith.extui %sign3A_113 : i1 to i32
      %sign3A_115 = arith.constant 0 : i32
      %sign3A_116 = arith.cmpi slt, %scan3A_109, %sign3A_115 : i32
      %sign3A_117 = arith.extui %sign3A_116 : i1 to i32
      %sign3A_118 = arith.subi %sign3A_114, %sign3A_117 : i32
      %sign3A_119 = arith.constant 0 : i32
      %sign3A_120 = arith.cmpi sgt, %jit3A_110, %sign3A_119 : i32
      %sign3A_121 = arith.extui %sign3A_120 : i1 to i32
      %sign3A_122 = arith.constant 0 : i32
      %sign3A_123 = arith.cmpi slt, %jit3A_110, %sign3A_122 : i32
      %sign3A_124 = arith.extui %sign3A_123 : i1 to i32
      %sign3A_125 = arith.subi %sign3A_121, %sign3A_124 : i32
      %ne3A_126 = arith.cmpi ne, %sign3A_118, %sign3A_125 : i32
      %rem3A_127 = arith.remsi %scan3A_109, %jit3A_110 : i32
      %ne3A_128 = arith.constant 0 : i32
      %ne3A_129 = arith.cmpi ne, %rem3A_127, %ne3A_128 : i32
      %and3A_130 = arith.andi %ne3A_126, %ne3A_129 : i1
      %sub3A_131 = arith.constant 1 : i32
      %sub3A_132 = arith.subi %div3A_111, %sub3A_131 : i32
      %select_n3A_133 = arith.select %and3A_130, %sub3A_132, %div3A_111 : i32
      %jit3A_134 = arith.constant 4 : i32
      %eq3A_135 = arith.constant 0 : i32
      %eq3A_136 = arith.cmpi eq, %jit3A_134, %eq3A_135 : i32
      %jit3A_137 = arith.constant 1 : i32
      %select_n3A_138 = arith.select %eq3A_136, %jit3A_137, %jit3A_134 : i32
      %rem3A_139 = arith.remsi %scan3A_109, %select_n3A_138 : i32
      %ne3A_140 = arith.constant 0 : i32
      %ne3A_141 = arith.cmpi ne, %rem3A_139, %ne3A_140 : i32
      %lt3A_142 = arith.constant 0 : i32
      %lt3A_143 = arith.cmpi slt, %rem3A_139, %lt3A_142 : i32
      %lt3A_144 = arith.constant 0 : i32
      %lt3A_145 = arith.cmpi slt, %select_n3A_138, %lt3A_144 : i32
      %ne3A_146 = arith.xori %lt3A_143, %lt3A_145 : i1
      %and3A_147 = arith.andi %ne3A_146, %ne3A_141 : i1
      %add3A_148 = arith.addi %rem3A_139, %select_n3A_138 : i32
      %select_n3A_149 = arith.select %and3A_147, %add3A_148, %rem3A_139 : i32
      %mul3A_150 = arith.constant 16 : i32
      %mul3A_151 = arith.muli %select_n3A_149, %mul3A_150 : i32
      %swap3A_152 = arith.index_cast %select_n3A_133 : i32 to index
      %swap3A_153 = arith.index_cast %mul3A_151 : i32 to index
      %swap3A_154 = tpu.vector_load %arg6[%swap3A_152, %swap3A_153] {strides = array<i32>} : memref<640x64xf32, #tpu.memory_space<vmem>>, vector<1x16xf32>,
      %swap3A_155 = vector.shape_cast %swap3A_154 : vector<1x16xf32> to vector<16xf32>
      %swap3A_156 = vector.shape_cast %broadcast_in_dim3A_8 : vector<16xf32> to vector<1x16xf32>
      tpu.vector_store %arg6[%swap3A_152, %swap3A_153], %swap3A_156 {strides = array<i32>} : memref<640x64xf32, #tpu.memory_space<vmem>>, vector<1x16xf32>,
      %scan3A_157 = arith.constant 2 : i32
      %scan3A_158 = arith.addi %scan3A_71, %scan3A_157 : i32
      %jit3A_159 = arith.constant 4 : i32
      %div3A_160 = arith.divsi %scan3A_158, %jit3A_159 : i32
      %sign3A_161 = arith.constant 0 : i32
      %sign3A_162 = arith.cmpi sgt, %scan3A_158, %sign3A_161 : i32
      %sign3A_163 = arith.extui %sign3A_162 : i1 to i32
      %sign3A_164 = arith.constant 0 : i32
      %sign3A_165 = arith.cmpi slt, %scan3A_158, %sign3A_164 : i32
      %sign3A_166 = arith.extui %sign3A_165 : i1 to i32
      %sign3A_167 = arith.subi %sign3A_163, %sign3A_166 : i32
      %sign3A_168 = arith.constant 0 : i32
      %sign3A_169 = arith.cmpi sgt, %jit3A_159, %sign3A_168 : i32
      %sign3A_170 = arith.extui %sign3A_169 : i1 to i32
      %sign3A_171 = arith.constant 0 : i32
      %sign3A_172 = arith.cmpi slt, %jit3A_159, %sign3A_171 : i32
      %sign3A_173 = arith.extui %sign3A_172 : i1 to i32
      %sign3A_174 = arith.subi %sign3A_170, %sign3A_173 : i32
      %ne3A_175 = arith.cmpi ne, %sign3A_167, %sign3A_174 : i32
      %rem3A_176 = arith.remsi %scan3A_158, %jit3A_159 : i32
      %ne3A_177 = arith.constant 0 : i32
      %ne3A_178 = arith.cmpi ne, %rem3A_176, %ne3A_177 : i32
      %and3A_179 = arith.andi %ne3A_175, %ne3A_178 : i1
      %sub3A_180 = arith.constant 1 : i32
      %sub3A_181 = arith.subi %div3A_160, %sub3A_180 : i32
      %select_n3A_182 = arith.select %and3A_179, %sub3A_181, %div3A_160 : i32
      %jit3A_183 = arith.constant 4 : i32
      %eq3A_184 = arith.constant 0 : i32
      %eq3A_185 = arith.cmpi eq, %jit3A_183, %eq3A_184 : i32
      %jit3A_186 = arith.constant 1 : i32
      %select_n3A_187 = arith.select %eq3A_185, %jit3A_186, %jit3A_183 : i32
      %rem3A_188 = arith.remsi %scan3A_158, %select_n3A_187 : i32
      %ne3A_189 = arith.constant 0 : i32
      %ne3A_190 = arith.cmpi ne, %rem3A_188, %ne3A_189 : i32
      %lt3A_191 = arith.constant 0 : i32
      %lt3A_192 = arith.cmpi slt, %rem3A_188, %lt3A_191 : i32
      %lt3A_193 = arith.constant 0 : i32
      %lt3A_194 = arith.cmpi slt, %select_n3A_187, %lt3A_193 : i32
      %ne3A_195 = arith.xori %lt3A_192, %lt3A_194 : i1
      %and3A_196 = arith.andi %ne3A_195, %ne3A_190 : i1
      %add3A_197 = arith.addi %rem3A_188, %select_n3A_187 : i32
      %select_n3A_198 = arith.select %and3A_196, %add3A_197, %rem3A_188 : i32
      %mul3A_199 = arith.constant 16 : i32
      %mul3A_200 = arith.muli %select_n3A_198, %mul3A_199 : i32
      %swap3A_201 = arith.index_cast %select_n3A_182 : i32 to index
      %swap3A_202 = arith.index_cast %mul3A_200 : i32 to index
      %swap3A_203 = tpu.vector_load %arg6[%swap3A_201, %swap3A_202] {strides = array<i32>} : memref<640x64xf32, #tpu.memory_space<vmem>>, vector<1x16xf32>,
      %swap3A_204 = vector.shape_cast %swap3A_203 : vector<1x16xf32> to vector<16xf32>
      %swap3A_205 = vector.shape_cast %broadcast_in_dim3A_8 : vector<16xf32> to vector<1x16xf32>
      tpu.vector_store %arg6[%swap3A_201, %swap3A_202], %swap3A_205 {strides = array<i32>} : memref<640x64xf32, #tpu.memory_space<vmem>>, vector<1x16xf32>,
      %scan3A_206 = arith.constant 3 : i32
      %scan3A_207 = arith.addi %scan3A_71, %scan3A_206 : i32
      %jit3A_208 = arith.constant 4 : i32
      %div3A_209 = arith.divsi %scan3A_207, %jit3A_208 : i32
      %sign3A_210 = arith.constant 0 : i32
      %sign3A_211 = arith.cmpi sgt, %scan3A_207, %sign3A_210 : i32
      %sign3A_212 = arith.extui %sign3A_211 : i1 to i32
      %sign3A_213 = arith.constant 0 : i32
      %sign3A_214 = arith.cmpi slt, %scan3A_207, %sign3A_213 : i32
      %sign3A_215 = arith.extui %sign3A_214 : i1 to i32
      %sign3A_216 = arith.subi %sign3A_212, %sign3A_215 : i32
      %sign3A_217 = arith.constant 0 : i32
      %sign3A_218 = arith.cmpi sgt, %jit3A_208, %sign3A_217 : i32
      %sign3A_219 = arith.extui %sign3A_218 : i1 to i32
      %sign3A_220 = arith.constant 0 : i32
      %sign3A_221 = arith.cmpi slt, %jit3A_208, %sign3A_220 : i32
      %sign3A_222 = arith.extui %sign3A_221 : i1 to i32
      %sign3A_223 = arith.subi %sign3A_219, %sign3A_222 : i32
      %ne3A_224 = arith.cmpi ne, %sign3A_216, %sign3A_223 : i32
      %rem3A_225 = arith.remsi %scan3A_207, %jit3A_208 : i32
      %ne3A_226 = arith.constant 0 : i32
      %ne3A_227 = arith.cmpi ne, %rem3A_225, %ne3A_226 : i32
      %and3A_228 = arith.andi %ne3A_224, %ne3A_227 : i1
      %sub3A_229 = arith.constant 1 : i32
      %sub3A_230 = arith.subi %div3A_209, %sub3A_229 : i32
      %select_n3A_231 = arith.select %and3A_228, %sub3A_230, %div3A_209 : i32
      %jit3A_232 = arith.constant 4 : i32
      %eq3A_233 = arith.constant 0 : i32
      %eq3A_234 = arith.cmpi eq, %jit3A_232, %eq3A_233 : i32
      %jit3A_235 = arith.constant 1 : i32
      %select_n3A_236 = arith.select %eq3A_234, %jit3A_235, %jit3A_232 : i32
      %rem3A_237 = arith.remsi %scan3A_207, %select_n3A_236 : i32
      %ne3A_238 = arith.constant 0 : i32
      %ne3A_239 = arith.cmpi ne, %rem3A_237, %ne3A_238 : i32
      %lt3A_240 = arith.constant 0 : i32
      %lt3A_241 = arith.cmpi slt, %rem3A_237, %lt3A_240 : i32
      %lt3A_242 = arith.constant 0 : i32
      %lt3A_243 = arith.cmpi slt, %select_n3A_236, %lt3A_242 : i32
      %ne3A_244 = arith.xori %lt3A_241, %lt3A_243 : i1
      %and3A_245 = arith.andi %ne3A_244, %ne3A_239 : i1
      %add3A_246 = arith.addi %rem3A_237, %select_n3A_236 : i32
      %select_n3A_247 = arith.select %and3A_245, %add3A_246, %rem3A_237 : i32
      %mul3A_248 = arith.constant 16 : i32
      %mul3A_249 = arith.muli %select_n3A_247, %mul3A_248 : i32
      %swap3A_250 = arith.index_cast %select_n3A_231 : i32 to index
      %swap3A_251 = arith.index_cast %mul3A_249 : i32 to index
      %swap3A_252 = tpu.vector_load %arg6[%swap3A_250, %swap3A_251] {strides = array<i32>} : memref<640x64xf32, #tpu.memory_space<vmem>>, vector<1x16xf32>,
      %swap3A_253 = vector.shape_cast %swap3A_252 : vector<1x16xf32> to vector<16xf32>
      %swap3A_254 = vector.shape_cast %broadcast_in_dim3A_8 : vector<16xf32> to vector<1x16xf32>
      tpu.vector_store %arg6[%swap3A_250, %swap3A_251], %swap3A_254 {strides = array<i32>} : memref<640x64xf32, #tpu.memory_space<vmem>>, vector<1x16xf32>,
      %scan3A_255 = arith.constant 4 : i32
      %scan3A_256 = arith.addi %scan3A_71, %scan3A_255 : i32
      %jit3A_257 = arith.constant 4 : i32
      %div3A_258 = arith.divsi %scan3A_256, %jit3A_257 : i32
      %sign3A_259 = arith.constant 0 : i32
      %sign3A_260 = arith.cmpi sgt, %scan3A_256, %sign3A_259 : i32
      %sign3A_261 = arith.extui %sign3A_260 : i1 to i32
      %sign3A_262 = arith.constant 0 : i32
      %sign3A_263 = arith.cmpi slt, %scan3A_256, %sign3A_262 : i32
      %sign3A_264 = arith.extui %sign3A_263 : i1 to i32
      %sign3A_265 = arith.subi %sign3A_261, %sign3A_264 : i32
      %sign3A_266 = arith.constant 0 : i32
      %sign3A_267 = arith.cmpi sgt, %jit3A_257, %sign3A_266 : i32
      %sign3A_268 = arith.extui %sign3A_267 : i1 to i32
      %sign3A_269 = arith.constant 0 : i32
      %sign3A_270 = arith.cmpi slt, %jit3A_257, %sign3A_269 : i32
      %sign3A_271 = arith.extui %sign3A_270 : i1 to i32
      %sign3A_272 = arith.subi %sign3A_268, %sign3A_271 : i32
      %ne3A_273 = arith.cmpi ne, %sign3A_265, %sign3A_272 : i32
      %rem3A_274 = arith.remsi %scan3A_256, %jit3A_257 : i32
      %ne3A_275 = arith.constant 0 : i32
      %ne3A_276 = arith.cmpi ne, %rem3A_274, %ne3A_275 : i32
      %and3A_277 = arith.andi %ne3A_273, %ne3A_276 : i1
      %sub3A_278 = arith.constant 1 : i32
      %sub3A_279 = arith.subi %div3A_258, %sub3A_278 : i32
      %select_n3A_280 = arith.select %and3A_277, %sub3A_279, %div3A_258 : i32
      %jit3A_281 = arith.constant 4 : i32
      %eq3A_282 = arith.constant 0 : i32
      %eq3A_283 = arith.cmpi eq, %jit3A_281, %eq3A_282 : i32
      %jit3A_284 = arith.constant 1 : i32
      %select_n3A_285 = arith.select %eq3A_283, %jit3A_284, %jit3A_281 : i32
      %rem3A_286 = arith.remsi %scan3A_256, %select_n3A_285 : i32
      %ne3A_287 = arith.constant 0 : i32
      %ne3A_288 = arith.cmpi ne, %rem3A_286, %ne3A_287 : i32
      %lt3A_289 = arith.constant 0 : i32
      %lt3A_290 = arith.cmpi slt, %rem3A_286, %lt3A_289 : i32
      %lt3A_291 = arith.constant 0 : i32
      %lt3A_292 = arith.cmpi slt, %select_n3A_285, %lt3A_291 : i32
      %ne3A_293 = arith.xori %lt3A_290, %lt3A_292 : i1
      %and3A_294 = arith.andi %ne3A_293, %ne3A_288 : i1
      %add3A_295 = arith.addi %rem3A_286, %select_n3A_285 : i32
      %select_n3A_296 = arith.select %and3A_294, %add3A_295, %rem3A_286 : i32
      %mul3A_297 = arith.constant 16 : i32
      %mul3A_298 = arith.muli %select_n3A_296, %mul3A_297 : i32
      %swap3A_299 = arith.index_cast %select_n3A_280 : i32 to index
      %swap3A_300 = arith.index_cast %mul3A_298 : i32 to index
      %swap3A_301 = tpu.vector_load %arg6[%swap3A_299, %swap3A_300] {strides = array<i32>} : memref<640x64xf32, #tpu.memory_space<vmem>>, vector<1x16xf32>,
      %swap3A_302 = vector.shape_cast %swap3A_301 : vector<1x16xf32> to vector<16xf32>
      %swap3A_303 = vector.shape_cast %broadcast_in_dim3A_8 : vector<16xf32> to vector<1x16xf32>
      tpu.vector_store %arg6[%swap3A_299, %swap3A_300], %swap3A_303 {strides = array<i32>} : memref<640x64xf32, #tpu.memory_space<vmem>>, vector<1x16xf32>,
      %scan3A_304 = arith.constant 5 : i32
      %scan3A_305 = arith.addi %scan3A_71, %scan3A_304 : i32
      %jit3A_306 = arith.constant 4 : i32
      %div3A_307 = arith.divsi %scan3A_305, %jit3A_306 : i32
      %sign3A_308 = arith.constant 0 : i32
      %sign3A_309 = arith.cmpi sgt, %scan3A_305, %sign3A_308 : i32
      %sign3A_310 = arith.extui %sign3A_309 : i1 to i32
      %sign3A_311 = arith.constant 0 : i32
      %sign3A_312 = arith.cmpi slt, %scan3A_305, %sign3A_311 : i32
      %sign3A_313 = arith.extui %sign3A_312 : i1 to i32
      %sign3A_314 = arith.subi %sign3A_310, %sign3A_313 : i32
      %sign3A_315 = arith.constant 0 : i32
      %sign3A_316 = arith.cmpi sgt, %jit3A_306, %sign3A_315 : i32
      %sign3A_317 = arith.extui %sign3A_316 : i1 to i32
      %sign3A_318 = arith.constant 0 : i32
      %sign3A_319 = arith.cmpi slt, %jit3A_306, %sign3A_318 : i32
      %sign3A_320 = arith.extui %sign3A_319 : i1 to i32
      %sign3A_321 = arith.subi %sign3A_317, %sign3A_320 : i32
      %ne3A_322 = arith.cmpi ne, %sign3A_314, %sign3A_321 : i32
      %rem3A_323 = arith.remsi %scan3A_305, %jit3A_306 : i32
      %ne3A_324 = arith.constant 0 : i32
      %ne3A_325 = arith.cmpi ne, %rem3A_323, %ne3A_324 : i32
      %and3A_326 = arith.andi %ne3A_322, %ne3A_325 : i1
      %sub3A_327 = arith.constant 1 : i32
      %sub3A_328 = arith.subi %div3A_307, %sub3A_327 : i32
      %select_n3A_329 = arith.select %and3A_326, %sub3A_328, %div3A_307 : i32
      %jit3A_330 = arith.constant 4 : i32
      %eq3A_331 = arith.constant 0 : i32
      %eq3A_332 = arith.cmpi eq, %jit3A_330, %eq3A_331 : i32
      %jit3A_333 = arith.constant 1 : i32
      %select_n3A_334 = arith.select %eq3A_332, %jit3A_333, %jit3A_330 : i32
      %rem3A_335 = arith.remsi %scan3A_305, %select_n3A_334 : i32
      %ne3A_336 = arith.constant 0 : i32
      %ne3A_337 = arith.cmpi ne, %rem3A_335, %ne3A_336 : i32
      %lt3A_338 = arith.constant 0 : i32
      %lt3A_339 = arith.cmpi slt, %rem3A_335, %lt3A_338 : i32
      %lt3A_340 = arith.constant 0 : i32
      %lt3A_341 = arith.cmpi slt, %select_n3A_334, %lt3A_340 : i32
      %ne3A_342 = arith.xori %lt3A_339, %lt3A_341 : i1
      %and3A_343 = arith.andi %ne3A_342, %ne3A_337 : i1
      %add3A_344 = arith.addi %rem3A_335, %select_n3A_334 : i32
      %select_n3A_345 = arith.select %and3A_343, %add3A_344, %rem3A_335 : i32
      %mul3A_346 = arith.constant 16 : i32
      %mul3A_347 = arith.muli %select_n3A_345, %mul3A_346 : i32
      %swap3A_348 = arith.index_cast %select_n3A_329 : i32 to index
      %swap3A_349 = arith.index_cast %mul3A_347 : i32 to index
      %swap3A_350 = tpu.vector_load %arg6[%swap3A_348, %swap3A_349] {strides = array<i32>} : memref<640x64xf32, #tpu.memory_space<vmem>>, vector<1x16xf32>,
      %swap3A_351 = vector.shape_cast %swap3A_350 : vector<1x16xf32> to vector<16xf32>
      %swap3A_352 = vector.shape_cast %broadcast_in_dim3A_8 : vector<16xf32> to vector<1x16xf32>
      tpu.vector_store %arg6[%swap3A_348, %swap3A_349], %swap3A_352 {strides = array<i32>} : memref<640x64xf32, #tpu.memory_space<vmem>>, vector<1x16xf32>,
      %scan3A_353 = arith.constant 6 : i32
      %scan3A_354 = arith.addi %scan3A_71, %scan3A_353 : i32
      %jit3A_355 = arith.constant 4 : i32
      %div3A_356 = arith.divsi %scan3A_354, %jit3A_355 : i32
      %sign3A_357 = arith.constant 0 : i32
      %sign3A_358 = arith.cmpi sgt, %scan3A_354, %sign3A_357 : i32
      %sign3A_359 = arith.extui %sign3A_358 : i1 to i32
      %sign3A_360 = arith.constant 0 : i32
      %sign3A_361 = arith.cmpi slt, %scan3A_354, %sign3A_360 : i32
      %sign3A_362 = arith.extui %sign3A_361 : i1 to i32
      %sign3A_363 = arith.subi %sign3A_359, %sign3A_362 : i32
      %sign3A_364 = arith.constant 0 : i32
      %sign3A_365 = arith.cmpi sgt, %jit3A_355, %sign3A_364 : i32
      %sign3A_366 = arith.extui %sign3A_365 : i1 to i32
      %sign3A_367 = arith.constant 0 : i32
      %sign3A_368 = arith.cmpi slt, %jit3A_355, %sign3A_367 : i32
      %sign3A_369 = arith.extui %sign3A_368 : i1 to i32
      %sign3A_370 = arith.subi %sign3A_366, %sign3A_369 : i32
      %ne3A_371 = arith.cmpi ne, %sign3A_363, %sign3A_370 : i32
      %rem3A_372 = arith.remsi %scan3A_354, %jit3A_355 : i32
      %ne3A_373 = arith.constant 0 : i32
      %ne3A_374 = arith.cmpi ne, %rem3A_372, %ne3A_373 : i32
      %and3A_375 = arith.andi %ne3A_371, %ne3A_374 : i1
      %sub3A_376 = arith.constant 1 : i32
      %sub3A_377 = arith.subi %div3A_356, %sub3A_376 : i32
      %select_n3A_378 = arith.select %and3A_375, %sub3A_377, %div3A_356 : i32
      %jit3A_379 = arith.constant 4 : i32
      %eq3A_380 = arith.constant 0 : i32
      %eq3A_381 = arith.cmpi eq, %jit3A_379, %eq3A_380 : i32
      %jit3A_382 = arith.constant 1 : i32
      %select_n3A_383 = arith.select %eq3A_381, %jit3A_382, %jit3A_379 : i32
      %rem3A_384 = arith.remsi %scan3A_354, %select_n3A_383 : i32
      %ne3A_385 = arith.constant 0 : i32
      %ne3A_386 = arith.cmpi ne, %rem3A_384, %ne3A_385 : i32
      %lt3A_387 = arith.constant 0 : i32
      %lt3A_388 = arith.cmpi slt, %rem3A_384, %lt3A_387 : i32
      %lt3A_389 = arith.constant 0 : i32
      %lt3A_390 = arith.cmpi slt, %select_n3A_383, %lt3A_389 : i32
      %ne3A_391 = arith.xori %lt3A_388, %lt3A_390 : i1
      %and3A_392 = arith.andi %ne3A_391, %ne3A_386 : i1
      %add3A_393 = arith.addi %rem3A_384, %select_n3A_383 : i32
      %select_n3A_394 = arith.select %and3A_392, %add3A_393, %rem3A_384 : i32
      %mul3A_395 = arith.constant 16 : i32
      %mul3A_396 = arith.muli %select_n3A_394, %mul3A_395 : i32
      %swap3A_397 = arith.index_cast %select_n3A_378 : i32 to index
      %swap3A_398 = arith.index_cast %mul3A_396 : i32 to index
      %swap3A_399 = tpu.vector_load %arg6[%swap3A_397, %swap3A_398] {strides = array<i32>} : memref<640x64xf32, #tpu.memory_space<vmem>>, vector<1x16xf32>,
      %swap3A_400 = vector.shape_cast %swap3A_399 : vector<1x16xf32> to vector<16xf32>
      %swap3A_401 = vector.shape_cast %broadcast_in_dim3A_8 : vector<16xf32> to vector<1x16xf32>
      tpu.vector_store %arg6[%swap3A_397, %swap3A_398], %swap3A_401 {strides = array<i32>} : memref<640x64xf32, #tpu.memory_space<vmem>>, vector<1x16xf32>,
      %scan3A_402 = arith.constant 7 : i32
      %scan3A_403 = arith.addi %scan3A_71, %scan3A_402 : i32
      %jit3A_404 = arith.constant 4 : i32
      %div3A_405 = arith.divsi %scan3A_403, %jit3A_404 : i32
      %sign3A_406 = arith.constant 0 : i32
      %sign3A_407 = arith.cmpi sgt, %scan3A_403, %sign3A_406 : i32
      %sign3A_408 = arith.extui %sign3A_407 : i1 to i32
      %sign3A_409 = arith.constant 0 : i32
      %sign3A_410 = arith.cmpi slt, %scan3A_403, %sign3A_409 : i32
      %sign3A_411 = arith.extui %sign3A_410 : i1 to i32
      %sign3A_412 = arith.subi %sign3A_408, %sign3A_411 : i32
      %sign3A_413 = arith.constant 0 : i32
      %sign3A_414 = arith.cmpi sgt, %jit3A_404, %sign3A_413 : i32
      %sign3A_415 = arith.extui %sign3A_414 : i1 to i32
      %sign3A_416 = arith.constant 0 : i32
      %sign3A_417 = arith.cmpi slt, %jit3A_404, %sign3A_416 : i32
      %sign3A_418 = arith.extui %sign3A_417 : i1 to i32
      %sign3A_419 = arith.subi %sign3A_415, %sign3A_418 : i32
      %ne3A_420 = arith.cmpi ne, %sign3A_412, %sign3A_419 : i32
      %rem3A_421 = arith.remsi %scan3A_403, %jit3A_404 : i32
      %ne3A_422 = arith.constant 0 : i32
      %ne3A_423 = arith.cmpi ne, %rem3A_421, %ne3A_422 : i32
      %and3A_424 = arith.andi %ne3A_420, %ne3A_423 : i1
      %sub3A_425 = arith.constant 1 : i32
      %sub3A_426 = arith.subi %div3A_405, %sub3A_425 : i32
      %select_n3A_427 = arith.select %and3A_424, %sub3A_426, %div3A_405 : i32
      %jit3A_428 = arith.constant 4 : i32
      %eq3A_429 = arith.constant 0 : i32
      %eq3A_430 = arith.cmpi eq, %jit3A_428, %eq3A_429 : i32
      %jit3A_431 = arith.constant 1 : i32
      %select_n3A_432 = arith.select %eq3A_430, %jit3A_431, %jit3A_428 : i32
      %rem3A_433 = arith.remsi %scan3A_403, %select_n3A_432 : i32
      %ne3A_434 = arith.constant 0 : i32
      %ne3A_435 = arith.cmpi ne, %rem3A_433, %ne3A_434 : i32
      %lt3A_436 = arith.constant 0 : i32
      %lt3A_437 = arith.cmpi slt, %rem3A_433, %lt3A_436 : i32
      %lt3A_438 = arith.constant 0 : i32
      %lt3A_439 = arith.cmpi slt, %select_n3A_432, %lt3A_438 : i32
      %ne3A_440 = arith.xori %lt3A_437, %lt3A_439 : i1
      %and3A_441 = arith.andi %ne3A_440, %ne3A_435 : i1
      %add3A_442 = arith.addi %rem3A_433, %select_n3A_432 : i32
      %select_n3A_443 = arith.select %and3A_441, %add3A_442, %rem3A_433 : i32
      %mul3A_444 = arith.constant 16 : i32
      %mul3A_445 = arith.muli %select_n3A_443, %mul3A_444 : i32
      %swap3A_446 = arith.index_cast %select_n3A_427 : i32 to index
      %swap3A_447 = arith.index_cast %mul3A_445 : i32 to index
      %swap3A_448 = tpu.vector_load %arg6[%swap3A_446, %swap3A_447] {strides = array<i32>} : memref<640x64xf32, #tpu.memory_space<vmem>>, vector<1x16xf32>,
      %swap3A_449 = vector.shape_cast %swap3A_448 : vector<1x16xf32> to vector<16xf32>
      %swap3A_450 = vector.shape_cast %broadcast_in_dim3A_8 : vector<16xf32> to vector<1x16xf32>
      tpu.vector_store %arg6[%swap3A_446, %swap3A_447], %swap3A_450 {strides = array<i32>} : memref<640x64xf32, #tpu.memory_space<vmem>>, vector<1x16xf32>,
    }
    %scan3A_14 = arith.constant 2560 : i32
    %scan3A_15 = arith.constant 0 : i32
    %scan3A_16 = arith.constant 0 : i32
    %scan3A_17 = arith.constant 2560 : i32
    %scan3A_18 = arith.addi %scan3A_16, %scan3A_17 : i32
    %scan3A_19 = arith.constant 8 : i32
    scf.for %scan3A_71 = %scan3A_16 to %scan3A_18 step %scan3A_19  : i32 {
      %jit3A = arith.constant 4 : i32
      %div3A = arith.divsi %scan3A_71, %jit3A : i32
      %sign3A = arith.constant 0 : i32
      %sign3A_72 = arith.cmpi sgt, %scan3A_71, %sign3A : i32
      %sign3A_73 = arith.extui %sign3A_72 : i1 to i32
      %sign3A_74 = arith.constant 0 : i32
      %sign3A_75 = arith.cmpi slt, %scan3A_71, %sign3A_74 : i32
      %sign3A_76 = arith.extui %sign3A_75 : i1 to i32
      %sign3A_77 = arith.subi %sign3A_73, %sign3A_76 : i32
      %sign3A_78 = arith.constant 0 : i32
      %sign3A_79 = arith.cmpi sgt, %jit3A, %sign3A_78 : i32
      %sign3A_80 = arith.extui %sign3A_79 : i1 to i32
      %sign3A_81 = arith.constant 0 : i32
      %sign3A_82 = arith.cmpi slt, %jit3A, %sign3A_81 : i32
      %sign3A_83 = arith.extui %sign3A_82 : i1 to i32
      %sign3A_84 = arith.subi %sign3A_80, %sign3A_83 : i32
      %ne3A = arith.cmpi ne, %sign3A_77, %sign3A_84 : i32
      %rem3A = arith.remsi %scan3A_71, %jit3A : i32
      %ne3A_85 = arith.constant 0 : i32
      %ne3A_86 = arith.cmpi ne, %rem3A, %ne3A_85 : i32
      %and3A = arith.andi %ne3A, %ne3A_86 : i1
      %sub3A = arith.constant 1 : i32
      %sub3A_87 = arith.subi %div3A, %sub3A : i32
      %select_n3A = arith.select %and3A, %sub3A_87, %div3A : i32
      %jit3A_88 = arith.constant 4 : i32
      %eq3A = arith.constant 0 : i32
      %eq3A_89 = arith.cmpi eq, %jit3A_88, %eq3A : i32
      %jit3A_90 = arith.constant 1 : i32
      %select_n3A_91 = arith.select %eq3A_89, %jit3A_90, %jit3A_88 : i32
      %rem3A_92 = arith.remsi %scan3A_71, %select_n3A_91 : i32
      %ne3A_93 = arith.constant 0 : i32
      %ne3A_94 = arith.cmpi ne, %rem3A_92, %ne3A_93 : i32
      %lt3A = arith.constant 0 : i32
      %lt3A_95 = arith.cmpi slt, %rem3A_92, %lt3A : i32
      %lt3A_96 = arith.constant 0 : i32
      %lt3A_97 = arith.cmpi slt, %select_n3A_91, %lt3A_96 : i32
      %ne3A_98 = arith.xori %lt3A_95, %lt3A_97 : i1
      %and3A_99 = arith.andi %ne3A_98, %ne3A_94 : i1
      %add3A_100 = arith.addi %rem3A_92, %select_n3A_91 : i32
      %select_n3A_101 = arith.select %and3A_99, %add3A_100, %rem3A_92 : i32
      %mul3A_102 = arith.constant 16 : i32
      %mul3A_103 = arith.muli %select_n3A_101, %mul3A_102 : i32
      %swap3A = arith.index_cast %select_n3A : i32 to index
      %swap3A_104 = arith.index_cast %mul3A_103 : i32 to index
      %swap3A_105 = tpu.vector_load %arg7[%swap3A, %swap3A_104] {strides = array<i32>} : memref<640x64xf32, #tpu.memory_space<vmem>>, vector<1x16xf32>,
      %swap3A_106 = vector.shape_cast %swap3A_105 : vector<1x16xf32> to vector<16xf32>
      %swap3A_107 = vector.shape_cast %broadcast_in_dim3A_8 : vector<16xf32> to vector<1x16xf32>
      tpu.vector_store %arg7[%swap3A, %swap3A_104], %swap3A_107 {strides = array<i32>} : memref<640x64xf32, #tpu.memory_space<vmem>>, vector<1x16xf32>,
      %scan3A_108 = arith.constant 1 : i32
      %scan3A_109 = arith.addi %scan3A_71, %scan3A_108 : i32
      %jit3A_110 = arith.constant 4 : i32
      %div3A_111 = arith.divsi %scan3A_109, %jit3A_110 : i32
      %sign3A_112 = arith.constant 0 : i32
      %sign3A_113 = arith.cmpi sgt, %scan3A_109, %sign3A_112 : i32
      %sign3A_114 = arith.extui %sign3A_113 : i1 to i32
      %sign3A_115 = arith.constant 0 : i32
      %sign3A_116 = arith.cmpi slt, %scan3A_109, %sign3A_115 : i32
      %sign3A_117 = arith.extui %sign3A_116 : i1 to i32
      %sign3A_118 = arith.subi %sign3A_114, %sign3A_117 : i32
      %sign3A_119 = arith.constant 0 : i32
      %sign3A_120 = arith.cmpi sgt, %jit3A_110, %sign3A_119 : i32
      %sign3A_121 = arith.extui %sign3A_120 : i1 to i32
      %sign3A_122 = arith.constant 0 : i32
      %sign3A_123 = arith.cmpi slt, %jit3A_110, %sign3A_122 : i32
      %sign3A_124 = arith.extui %sign3A_123 : i1 to i32
      %sign3A_125 = arith.subi %sign3A_121, %sign3A_124 : i32
      %ne3A_126 = arith.cmpi ne, %sign3A_118, %sign3A_125 : i32
      %rem3A_127 = arith.remsi %scan3A_109, %jit3A_110 : i32
      %ne3A_128 = arith.constant 0 : i32
      %ne3A_129 = arith.cmpi ne, %rem3A_127, %ne3A_128 : i32
      %and3A_130 = arith.andi %ne3A_126, %ne3A_129 : i1
      %sub3A_131 = arith.constant 1 : i32
      %sub3A_132 = arith.subi %div3A_111, %sub3A_131 : i32
      %select_n3A_133 = arith.select %and3A_130, %sub3A_132, %div3A_111 : i32
      %jit3A_134 = arith.constant 4 : i32
      %eq3A_135 = arith.constant 0 : i32
      %eq3A_136 = arith.cmpi eq, %jit3A_134, %eq3A_135 : i32
      %jit3A_137 = arith.constant 1 : i32
      %select_n3A_138 = arith.select %eq3A_136, %jit3A_137, %jit3A_134 : i32
      %rem3A_139 = arith.remsi %scan3A_109, %select_n3A_138 : i32
      %ne3A_140 = arith.constant 0 : i32
      %ne3A_141 = arith.cmpi ne, %rem3A_139, %ne3A_140 : i32
      %lt3A_142 = arith.constant 0 : i32
      %lt3A_143 = arith.cmpi slt, %rem3A_139, %lt3A_142 : i32
      %lt3A_144 = arith.constant 0 : i32
      %lt3A_145 = arith.cmpi slt, %select_n3A_138, %lt3A_144 : i32
      %ne3A_146 = arith.xori %lt3A_143, %lt3A_145 : i1
      %and3A_147 = arith.andi %ne3A_146, %ne3A_141 : i1
      %add3A_148 = arith.addi %rem3A_139, %select_n3A_138 : i32
      %select_n3A_149 = arith.select %and3A_147, %add3A_148, %rem3A_139 : i32
      %mul3A_150 = arith.constant 16 : i32
      %mul3A_151 = arith.muli %select_n3A_149, %mul3A_150 : i32
      %swap3A_152 = arith.index_cast %select_n3A_133 : i32 to index
      %swap3A_153 = arith.index_cast %mul3A_151 : i32 to index
      %swap3A_154 = tpu.vector_load %arg7[%swap3A_152, %swap3A_153] {strides = array<i32>} : memref<640x64xf32, #tpu.memory_space<vmem>>, vector<1x16xf32>,
      %swap3A_155 = vector.shape_cast %swap3A_154 : vector<1x16xf32> to vector<16xf32>
      %swap3A_156 = vector.shape_cast %broadcast_in_dim3A_8 : vector<16xf32> to vector<1x16xf32>
      tpu.vector_store %arg7[%swap3A_152, %swap3A_153], %swap3A_156 {strides = array<i32>} : memref<640x64xf32, #tpu.memory_space<vmem>>, vector<1x16xf32>,
      %scan3A_157 = arith.constant 2 : i32
      %scan3A_158 = arith.addi %scan3A_71, %scan3A_157 : i32
      %jit3A_159 = arith.constant 4 : i32
      %div3A_160 = arith.divsi %scan3A_158, %jit3A_159 : i32
      %sign3A_161 = arith.constant 0 : i32
      %sign3A_162 = arith.cmpi sgt, %scan3A_158, %sign3A_161 : i32
      %sign3A_163 = arith.extui %sign3A_162 : i1 to i32
      %sign3A_164 = arith.constant 0 : i32
      %sign3A_165 = arith.cmpi slt, %scan3A_158, %sign3A_164 : i32
      %sign3A_166 = arith.extui %sign3A_165 : i1 to i32
      %sign3A_167 = arith.subi %sign3A_163, %sign3A_166 : i32
      %sign3A_168 = arith.constant 0 : i32
      %sign3A_169 = arith.cmpi sgt, %jit3A_159, %sign3A_168 : i32
      %sign3A_170 = arith.extui %sign3A_169 : i1 to i32
      %sign3A_171 = arith.constant 0 : i32
      %sign3A_172 = arith.cmpi slt, %jit3A_159, %sign3A_171 : i32
      %sign3A_173 = arith.extui %sign3A_172 : i1 to i32
      %sign3A_174 = arith.subi %sign3A_170, %sign3A_173 : i32
      %ne3A_175 = arith.cmpi ne, %sign3A_167, %sign3A_174 : i32
      %rem3A_176 = arith.remsi %scan3A_158, %jit3A_159 : i32
      %ne3A_177 = arith.constant 0 : i32
      %ne3A_178 = arith.cmpi ne, %rem3A_176, %ne3A_177 : i32
      %and3A_179 = arith.andi %ne3A_175, %ne3A_178 : i1
      %sub3A_180 = arith.constant 1 : i32
      %sub3A_181 = arith.subi %div3A_160, %sub3A_180 : i32
      %select_n3A_182 = arith.select %and3A_179, %sub3A_181, %div3A_160 : i32
      %jit3A_183 = arith.constant 4 : i32
      %eq3A_184 = arith.constant 0 : i32
      %eq3A_185 = arith.cmpi eq, %jit3A_183, %eq3A_184 : i32
      %jit3A_186 = arith.constant 1 : i32
      %select_n3A_187 = arith.select %eq3A_185, %jit3A_186, %jit3A_183 : i32
      %rem3A_188 = arith.remsi %scan3A_158, %select_n3A_187 : i32
      %ne3A_189 = arith.constant 0 : i32
      %ne3A_190 = arith.cmpi ne, %rem3A_188, %ne3A_189 : i32
      %lt3A_191 = arith.constant 0 : i32
      %lt3A_192 = arith.cmpi slt, %rem3A_188, %lt3A_191 : i32
      %lt3A_193 = arith.constant 0 : i32
      %lt3A_194 = arith.cmpi slt, %select_n3A_187, %lt3A_193 : i32
      %ne3A_195 = arith.xori %lt3A_192, %lt3A_194 : i1
      %and3A_196 = arith.andi %ne3A_195, %ne3A_190 : i1
      %add3A_197 = arith.addi %rem3A_188, %select_n3A_187 : i32
      %select_n3A_198 = arith.select %and3A_196, %add3A_197, %rem3A_188 : i32
      %mul3A_199 = arith.constant 16 : i32
      %mul3A_200 = arith.muli %select_n3A_198, %mul3A_199 : i32
      %swap3A_201 = arith.index_cast %select_n3A_182 : i32 to index
      %swap3A_202 = arith.index_cast %mul3A_200 : i32 to index
      %swap3A_203 = tpu.vector_load %arg7[%swap3A_201, %swap3A_202] {strides = array<i32>} : memref<640x64xf32, #tpu.memory_space<vmem>>, vector<1x16xf32>,
      %swap3A_204 = vector.shape_cast %swap3A_203 : vector<1x16xf32> to vector<16xf32>
      %swap3A_205 = vector.shape_cast %broadcast_in_dim3A_8 : vector<16xf32> to vector<1x16xf32>
      tpu.vector_store %arg7[%swap3A_201, %swap3A_202], %swap3A_205 {strides = array<i32>} : memref<640x64xf32, #tpu.memory_space<vmem>>, vector<1x16xf32>,
      %scan3A_206 = arith.constant 3 : i32
      %scan3A_207 = arith.addi %scan3A_71, %scan3A_206 : i32
      %jit3A_208 = arith.constant 4 : i32
      %div3A_209 = arith.divsi %scan3A_207, %jit3A_208 : i32
      %sign3A_210 = arith.constant 0 : i32
      %sign3A_211 = arith.cmpi sgt, %scan3A_207, %sign3A_210 : i32
      %sign3A_212 = arith.extui %sign3A_211 : i1 to i32
      %sign3A_213 = arith.constant 0 : i32
      %sign3A_214 = arith.cmpi slt, %scan3A_207, %sign3A_213 : i32
      %sign3A_215 = arith.extui %sign3A_214 : i1 to i32
      %sign3A_216 = arith.subi %sign3A_212, %sign3A_215 : i32
      %sign3A_217 = arith.constant 0 : i32
      %sign3A_218 = arith.cmpi sgt, %jit3A_208, %sign3A_217 : i32
      %sign3A_219 = arith.extui %sign3A_218 : i1 to i32
      %sign3A_220 = arith.constant 0 : i32
      %sign3A_221 = arith.cmpi slt, %jit3A_208, %sign3A_220 : i32
      %sign3A_222 = arith.extui %sign3A_221 : i1 to i32
      %sign3A_223 = arith.subi %sign3A_219, %sign3A_222 : i32
      %ne3A_224 = arith.cmpi ne, %sign3A_216, %sign3A_223 : i32
      %rem3A_225 = arith.remsi %scan3A_207, %jit3A_208 : i32
      %ne3A_226 = arith.constant 0 : i32
      %ne3A_227 = arith.cmpi ne, %rem3A_225, %ne3A_226 : i32
      %and3A_228 = arith.andi %ne3A_224, %ne3A_227 : i1
      %sub3A_229 = arith.constant 1 : i32
      %sub3A_230 = arith.subi %div3A_209, %sub3A_229 : i32
      %select_n3A_231 = arith.select %and3A_228, %sub3A_230, %div3A_209 : i32
      %jit3A_232 = arith.constant 4 : i32
      %eq3A_233 = arith.constant 0 : i32
      %eq3A_234 = arith.cmpi eq, %jit3A_232, %eq3A_233 : i32
      %jit3A_235 = arith.constant 1 : i32
      %select_n3A_236 = arith.select %eq3A_234, %jit3A_235, %jit3A_232 : i32
      %rem3A_237 = arith.remsi %scan3A_207, %select_n3A_236 : i32
      %ne3A_238 = arith.constant 0 : i32
      %ne3A_239 = arith.cmpi ne, %rem3A_237, %ne3A_238 : i32
      %lt3A_240 = arith.constant 0 : i32
      %lt3A_241 = arith.cmpi slt, %rem3A_237, %lt3A_240 : i32
      %lt3A_242 = arith.constant 0 : i32
      %lt3A_243 = arith.cmpi slt, %select_n3A_236, %lt3A_242 : i32
      %ne3A_244 = arith.xori %lt3A_241, %lt3A_243 : i1
      %and3A_245 = arith.andi %ne3A_244, %ne3A_239 : i1
      %add3A_246 = arith.addi %rem3A_237, %select_n3A_236 : i32
      %select_n3A_247 = arith.select %and3A_245, %add3A_246, %rem3A_237 : i32
      %mul3A_248 = arith.constant 16 : i32
      %mul3A_249 = arith.muli %select_n3A_247, %mul3A_248 : i32
      %swap3A_250 = arith.index_cast %select_n3A_231 : i32 to index
      %swap3A_251 = arith.index_cast %mul3A_249 : i32 to index
      %swap3A_252 = tpu.vector_load %arg7[%swap3A_250, %swap3A_251] {strides = array<i32>} : memref<640x64xf32, #tpu.memory_space<vmem>>, vector<1x16xf32>,
      %swap3A_253 = vector.shape_cast %swap3A_252 : vector<1x16xf32> to vector<16xf32>
      %swap3A_254 = vector.shape_cast %broadcast_in_dim3A_8 : vector<16xf32> to vector<1x16xf32>
      tpu.vector_store %arg7[%swap3A_250, %swap3A_251], %swap3A_254 {strides = array<i32>} : memref<640x64xf32, #tpu.memory_space<vmem>>, vector<1x16xf32>,
      %scan3A_255 = arith.constant 4 : i32
      %scan3A_256 = arith.addi %scan3A_71, %scan3A_255 : i32
      %jit3A_257 = arith.constant 4 : i32
      %div3A_258 = arith.divsi %scan3A_256, %jit3A_257 : i32
      %sign3A_259 = arith.constant 0 : i32
      %sign3A_260 = arith.cmpi sgt, %scan3A_256, %sign3A_259 : i32
      %sign3A_261 = arith.extui %sign3A_260 : i1 to i32
      %sign3A_262 = arith.constant 0 : i32
      %sign3A_263 = arith.cmpi slt, %scan3A_256, %sign3A_262 : i32
      %sign3A_264 = arith.extui %sign3A_263 : i1 to i32
      %sign3A_265 = arith.subi %sign3A_261, %sign3A_264 : i32
      %sign3A_266 = arith.constant 0 : i32
      %sign3A_267 = arith.cmpi sgt, %jit3A_257, %sign3A_266 : i32
      %sign3A_268 = arith.extui %sign3A_267 : i1 to i32
      %sign3A_269 = arith.constant 0 : i32
      %sign3A_270 = arith.cmpi slt, %jit3A_257, %sign3A_269 : i32
      %sign3A_271 = arith.extui %sign3A_270 : i1 to i32
      %sign3A_272 = arith.subi %sign3A_268, %sign3A_271 : i32
      %ne3A_273 = arith.cmpi ne, %sign3A_265, %sign3A_272 : i32
      %rem3A_274 = arith.remsi %scan3A_256, %jit3A_257 : i32
      %ne3A_275 = arith.constant 0 : i32
      %ne3A_276 = arith.cmpi ne, %rem3A_274, %ne3A_275 : i32
      %and3A_277 = arith.andi %ne3A_273, %ne3A_276 : i1
      %sub3A_278 = arith.constant 1 : i32
      %sub3A_279 = arith.subi %div3A_258, %sub3A_278 : i32
      %select_n3A_280 = arith.select %and3A_277, %sub3A_279, %div3A_258 : i32
      %jit3A_281 = arith.constant 4 : i32
      %eq3A_282 = arith.constant 0 : i32
      %eq3A_283 = arith.cmpi eq, %jit3A_281, %eq3A_282 : i32
      %jit3A_284 = arith.constant 1 : i32
      %select_n3A_285 = arith.select %eq3A_283, %jit3A_284, %jit3A_281 : i32
      %rem3A_286 = arith.remsi %scan3A_256, %select_n3A_285 : i32
      %ne3A_287 = arith.constant 0 : i32
      %ne3A_288 = arith.cmpi ne, %rem3A_286, %ne3A_287 : i32
      %lt3A_289 = arith.constant 0 : i32
      %lt3A_290 = arith.cmpi slt, %rem3A_286, %lt3A_289 : i32
      %lt3A_291 = arith.constant 0 : i32
      %lt3A_292 = arith.cmpi slt, %select_n3A_285, %lt3A_291 : i32
      %ne3A_293 = arith.xori %lt3A_290, %lt3A_292 : i1
      %and3A_294 = arith.andi %ne3A_293, %ne3A_288 : i1
      %add3A_295 = arith.addi %rem3A_286, %select_n3A_285 : i32
      %select_n3A_296 = arith.select %and3A_294, %add3A_295, %rem3A_286 : i32
      %mul3A_297 = arith.constant 16 : i32
      %mul3A_298 = arith.muli %select_n3A_296, %mul3A_297 : i32
      %swap3A_299 = arith.index_cast %select_n3A_280 : i32 to index
      %swap3A_300 = arith.index_cast %mul3A_298 : i32 to index
      %swap3A_301 = tpu.vector_load %arg7[%swap3A_299, %swap3A_300] {strides = array<i32>} : memref<640x64xf32, #tpu.memory_space<vmem>>, vector<1x16xf32>,
      %swap3A_302 = vector.shape_cast %swap3A_301 : vector<1x16xf32> to vector<16xf32>
      %swap3A_303 = vector.shape_cast %broadcast_in_dim3A_8 : vector<16xf32> to vector<1x16xf32>
      tpu.vector_store %arg7[%swap3A_299, %swap3A_300], %swap3A_303 {strides = array<i32>} : memref<640x64xf32, #tpu.memory_space<vmem>>, vector<1x16xf32>,
      %scan3A_304 = arith.constant 5 : i32
      %scan3A_305 = arith.addi %scan3A_71, %scan3A_304 : i32
      %jit3A_306 = arith.constant 4 : i32
      %div3A_307 = arith.divsi %scan3A_305, %jit3A_306 : i32
      %sign3A_308 = arith.constant 0 : i32
      %sign3A_309 = arith.cmpi sgt, %scan3A_305, %sign3A_308 : i32
      %sign3A_310 = arith.extui %sign3A_309 : i1 to i32
      %sign3A_311 = arith.constant 0 : i32
      %sign3A_312 = arith.cmpi slt, %scan3A_305, %sign3A_311 : i32
      %sign3A_313 = arith.extui %sign3A_312 : i1 to i32
      %sign3A_314 = arith.subi %sign3A_310, %sign3A_313 : i32
      %sign3A_315 = arith.constant 0 : i32
      %sign3A_316 = arith.cmpi sgt, %jit3A_306, %sign3A_315 : i32
      %sign3A_317 = arith.extui %sign3A_316 : i1 to i32
      %sign3A_318 = arith.constant 0 : i32
      %sign3A_319 = arith.cmpi slt, %jit3A_306, %sign3A_318 : i32
      %sign3A_320 = arith.extui %sign3A_319 : i1 to i32
      %sign3A_321 = arith.subi %sign3A_317, %sign3A_320 : i32
      %ne3A_322 = arith.cmpi ne, %sign3A_314, %sign3A_321 : i32
      %rem3A_323 = arith.remsi %scan3A_305, %jit3A_306 : i32
      %ne3A_324 = arith.constant 0 : i32
      %ne3A_325 = arith.cmpi ne, %rem3A_323, %ne3A_324 : i32
      %and3A_326 = arith.andi %ne3A_322, %ne3A_325 : i1
      %sub3A_327 = arith.constant 1 : i32
      %sub3A_328 = arith.subi %div3A_307, %sub3A_327 : i32
      %select_n3A_329 = arith.select %and3A_326, %sub3A_328, %div3A_307 : i32
      %jit3A_330 = arith.constant 4 : i32
      %eq3A_331 = arith.constant 0 : i32
      %eq3A_332 = arith.cmpi eq, %jit3A_330, %eq3A_331 : i32
      %jit3A_333 = arith.constant 1 : i32
      %select_n3A_334 = arith.select %eq3A_332, %jit3A_333, %jit3A_330 : i32
      %rem3A_335 = arith.remsi %scan3A_305, %select_n3A_334 : i32
      %ne3A_336 = arith.constant 0 : i32
      %ne3A_337 = arith.cmpi ne, %rem3A_335, %ne3A_336 : i32
      %lt3A_338 = arith.constant 0 : i32
      %lt3A_339 = arith.cmpi slt, %rem3A_335, %lt3A_338 : i32
      %lt3A_340 = arith.constant 0 : i32
      %lt3A_341 = arith.cmpi slt, %select_n3A_334, %lt3A_340 : i32
      %ne3A_342 = arith.xori %lt3A_339, %lt3A_341 : i1
      %and3A_343 = arith.andi %ne3A_342, %ne3A_337 : i1
      %add3A_344 = arith.addi %rem3A_335, %select_n3A_334 : i32
      %select_n3A_345 = arith.select %and3A_343, %add3A_344, %rem3A_335 : i32
      %mul3A_346 = arith.constant 16 : i32
      %mul3A_347 = arith.muli %select_n3A_345, %mul3A_346 : i32
      %swap3A_348 = arith.index_cast %select_n3A_329 : i32 to index
      %swap3A_349 = arith.index_cast %mul3A_347 : i32 to index
      %swap3A_350 = tpu.vector_load %arg7[%swap3A_348, %swap3A_349] {strides = array<i32>} : memref<640x64xf32, #tpu.memory_space<vmem>>, vector<1x16xf32>,
      %swap3A_351 = vector.shape_cast %swap3A_350 : vector<1x16xf32> to vector<16xf32>
      %swap3A_352 = vector.shape_cast %broadcast_in_dim3A_8 : vector<16xf32> to vector<1x16xf32>
      tpu.vector_store %arg7[%swap3A_348, %swap3A_349], %swap3A_352 {strides = array<i32>} : memref<640x64xf32, #tpu.memory_space<vmem>>, vector<1x16xf32>,
      %scan3A_353 = arith.constant 6 : i32
      %scan3A_354 = arith.addi %scan3A_71, %scan3A_353 : i32
      %jit3A_355 = arith.constant 4 : i32
      %div3A_356 = arith.divsi %scan3A_354, %jit3A_355 : i32
      %sign3A_357 = arith.constant 0 : i32
      %sign3A_358 = arith.cmpi sgt, %scan3A_354, %sign3A_357 : i32
      %sign3A_359 = arith.extui %sign3A_358 : i1 to i32
      %sign3A_360 = arith.constant 0 : i32
      %sign3A_361 = arith.cmpi slt, %scan3A_354, %sign3A_360 : i32
      %sign3A_362 = arith.extui %sign3A_361 : i1 to i32
      %sign3A_363 = arith.subi %sign3A_359, %sign3A_362 : i32
      %sign3A_364 = arith.constant 0 : i32
      %sign3A_365 = arith.cmpi sgt, %jit3A_355, %sign3A_364 : i32
      %sign3A_366 = arith.extui %sign3A_365 : i1 to i32
      %sign3A_367 = arith.constant 0 : i32
      %sign3A_368 = arith.cmpi slt, %jit3A_355, %sign3A_367 : i32
      %sign3A_369 = arith.extui %sign3A_368 : i1 to i32
      %sign3A_370 = arith.subi %sign3A_366, %sign3A_369 : i32
      %ne3A_371 = arith.cmpi ne, %sign3A_363, %sign3A_370 : i32
      %rem3A_372 = arith.remsi %scan3A_354, %jit3A_355 : i32
      %ne3A_373 = arith.constant 0 : i32
      %ne3A_374 = arith.cmpi ne, %rem3A_372, %ne3A_373 : i32
      %and3A_375 = arith.andi %ne3A_371, %ne3A_374 : i1
      %sub3A_376 = arith.constant 1 : i32
      %sub3A_377 = arith.subi %div3A_356, %sub3A_376 : i32
      %select_n3A_378 = arith.select %and3A_375, %sub3A_377, %div3A_356 : i32
      %jit3A_379 = arith.constant 4 : i32
      %eq3A_380 = arith.constant 0 : i32
      %eq3A_381 = arith.cmpi eq, %jit3A_379, %eq3A_380 : i32
      %jit3A_382 = arith.constant 1 : i32
      %select_n3A_383 = arith.select %eq3A_381, %jit3A_382, %jit3A_379 : i32
      %rem3A_384 = arith.remsi %scan3A_354, %select_n3A_383 : i32
      %ne3A_385 = arith.constant 0 : i32
      %ne3A_386 = arith.cmpi ne, %rem3A_384, %ne3A_385 : i32
      %lt3A_387 = arith.constant 0 : i32
      %lt3A_388 = arith.cmpi slt, %rem3A_384, %lt3A_387 : i32
      %lt3A_389 = arith.constant 0 : i32
      %lt3A_390 = arith.cmpi slt, %select_n3A_383, %lt3A_389 : i32
      %ne3A_391 = arith.xori %lt3A_388, %lt3A_390 : i1
      %and3A_392 = arith.andi %ne3A_391, %ne3A_386 : i1
      %add3A_393 = arith.addi %rem3A_384, %select_n3A_383 : i32
      %select_n3A_394 = arith.select %and3A_392, %add3A_393, %rem3A_384 : i32
      %mul3A_395 = arith.constant 16 : i32
      %mul3A_396 = arith.muli %select_n3A_394, %mul3A_395 : i32
      %swap3A_397 = arith.index_cast %select_n3A_378 : i32 to index
      %swap3A_398 = arith.index_cast %mul3A_396 : i32 to index
      %swap3A_399 = tpu.vector_load %arg7[%swap3A_397, %swap3A_398] {strides = array<i32>} : memref<640x64xf32, #tpu.memory_space<vmem>>, vector<1x16xf32>,
      %swap3A_400 = vector.shape_cast %swap3A_399 : vector<1x16xf32> to vector<16xf32>
      %swap3A_401 = vector.shape_cast %broadcast_in_dim3A_8 : vector<16xf32> to vector<1x16xf32>
      tpu.vector_store %arg7[%swap3A_397, %swap3A_398], %swap3A_401 {strides = array<i32>} : memref<640x64xf32, #tpu.memory_space<vmem>>, vector<1x16xf32>,
      %scan3A_402 = arith.constant 7 : i32
      %scan3A_403 = arith.addi %scan3A_71, %scan3A_402 : i32
      %jit3A_404 = arith.constant 4 : i32
      %div3A_405 = arith.divsi %scan3A_403, %jit3A_404 : i32
      %sign3A_406 = arith.constant 0 : i32
      %sign3A_407 = arith.cmpi sgt, %scan3A_403, %sign3A_406 : i32
      %sign3A_408 = arith.extui %sign3A_407 : i1 to i32
      %sign3A_409 = arith.constant 0 : i32
      %sign3A_410 = arith.cmpi slt, %scan3A_403, %sign3A_409 : i32
      %sign3A_411 = arith.extui %sign3A_410 : i1 to i32
      %sign3A_412 = arith.subi %sign3A_408, %sign3A_411 : i32
      %sign3A_413 = arith.constant 0 : i32
      %sign3A_414 = arith.cmpi sgt, %jit3A_404, %sign3A_413 : i32
      %sign3A_415 = arith.extui %sign3A_414 : i1 to i32
      %sign3A_416 = arith.constant 0 : i32
      %sign3A_417 = arith.cmpi slt, %jit3A_404, %sign3A_416 : i32
      %sign3A_418 = arith.extui %sign3A_417 : i1 to i32
      %sign3A_419 = arith.subi %sign3A_415, %sign3A_418 : i32
      %ne3A_420 = arith.cmpi ne, %sign3A_412, %sign3A_419 : i32
      %rem3A_421 = arith.remsi %scan3A_403, %jit3A_404 : i32
      %ne3A_422 = arith.constant 0 : i32
      %ne3A_423 = arith.cmpi ne, %rem3A_421, %ne3A_422 : i32
      %and3A_424 = arith.andi %ne3A_420, %ne3A_423 : i1
      %sub3A_425 = arith.constant 1 : i32
      %sub3A_426 = arith.subi %div3A_405, %sub3A_425 : i32
      %select_n3A_427 = arith.select %and3A_424, %sub3A_426, %div3A_405 : i32
      %jit3A_428 = arith.constant 4 : i32
      %eq3A_429 = arith.constant 0 : i32
      %eq3A_430 = arith.cmpi eq, %jit3A_428, %eq3A_429 : i32
      %jit3A_431 = arith.constant 1 : i32
      %select_n3A_432 = arith.select %eq3A_430, %jit3A_431, %jit3A_428 : i32
      %rem3A_433 = arith.remsi %scan3A_403, %select_n3A_432 : i32
      %ne3A_434 = arith.constant 0 : i32
      %ne3A_435 = arith.cmpi ne, %rem3A_433, %ne3A_434 : i32
      %lt3A_436 = arith.constant 0 : i32
      %lt3A_437 = arith.cmpi slt, %rem3A_433, %lt3A_436 : i32
      %lt3A_438 = arith.constant 0 : i32
      %lt3A_439 = arith.cmpi slt, %select_n3A_432, %lt3A_438 : i32
      %ne3A_440 = arith.xori %lt3A_437, %lt3A_439 : i1
      %and3A_441 = arith.andi %ne3A_440, %ne3A_435 : i1
      %add3A_442 = arith.addi %rem3A_433, %select_n3A_432 : i32
      %select_n3A_443 = arith.select %and3A_441, %add3A_442, %rem3A_433 : i32
      %mul3A_444 = arith.constant 16 : i32
      %mul3A_445 = arith.muli %select_n3A_443, %mul3A_444 : i32
      %swap3A_446 = arith.index_cast %select_n3A_427 : i32 to index
      %swap3A_447 = arith.index_cast %mul3A_445 : i32 to index
      %swap3A_448 = tpu.vector_load %arg7[%swap3A_446, %swap3A_447] {strides = array<i32>} : memref<640x64xf32, #tpu.memory_space<vmem>>, vector<1x16xf32>,
      %swap3A_449 = vector.shape_cast %swap3A_448 : vector<1x16xf32> to vector<16xf32>
      %swap3A_450 = vector.shape_cast %broadcast_in_dim3A_8 : vector<16xf32> to vector<1x16xf32>
      tpu.vector_store %arg7[%swap3A_446, %swap3A_447], %swap3A_450 {strides = array<i32>} : memref<640x64xf32, #tpu.memory_space<vmem>>, vector<1x16xf32>,
    }
    %scan3A_20 = arith.constant 2560 : i32
    %dma_start3A = arith.constant 0 : i32
    %dma_start3A_21 = arith.constant 0 : i32
    %dma_start3A_22 = tpu.memref_slice %arg6[%dma_start3A, %dma_start3A_21] : memref<640x64xf32, #tpu.memory_space<vmem>> -> memref<128x64xf32, #tpu.memory_space<vmem>>
    %dma_start3A_23 = arith.constant 0 : i32
    %dma_start3A_24 = tpu.memref_slice %arg5[%dma_start3A_23] : memref<25600xi32, #tpu.memory_space<vmem>> -> memref<128xi32, #tpu.memory_space<vmem>>
    %dma_start3A_25 = arith.constant 0 : i32
    %dma_start3A_26 = arith.constant 0 : i32
    %dma_start3A_27 = tpu.memref_slice %arg3[%dma_start3A_25, %dma_start3A_26] : memref<250000x64xf32, #tpu.memory_space<hbm>> -> memref<250000x64xf32, #tpu.memory_space<hbm>>
    %dma_start3A_28 = arith.constant -1 : i32
    tpu.enqueue_indirect_dma source(%dma_start3A_27 : memref<250000x64xf32, #tpu.memory_space<hbm>>) target(%dma_start3A_22 : memref<128x64xf32, #tpu.memory_space<vmem>>) offsets(%dma_start3A_24 : memref<128xi32, #tpu.memory_space<vmem>>) offset_filter(%dma_start3A_28) semaphore(%arg8 : memref<!tpu.dma_semaphore, #tpu.memory_space<semaphore_mem>>)
    %dma_start3A_29 = arith.constant 128 : i32
    %dma_start3A_30 = arith.constant 0 : i32
    %dma_start3A_31 = tpu.memref_slice %arg6[%dma_start3A_29, %dma_start3A_30] : memref<640x64xf32, #tpu.memory_space<vmem>> -> memref<128x64xf32, #tpu.memory_space<vmem>>
    %dma_start3A_32 = arith.constant 128 : i32
    %dma_start3A_33 = tpu.memref_slice %arg5[%dma_start3A_32] : memref<25600xi32, #tpu.memory_space<vmem>> -> memref<128xi32, #tpu.memory_space<vmem>>
    %dma_start3A_34 = arith.constant 0 : i32
    %dma_start3A_35 = arith.constant 0 : i32
    %dma_start3A_36 = tpu.memref_slice %arg3[%dma_start3A_34, %dma_start3A_35] : memref<250000x64xf32, #tpu.memory_space<hbm>> -> memref<250000x64xf32, #tpu.memory_space<hbm>>
    %dma_start3A_37 = arith.constant -1 : i32
    tpu.enqueue_indirect_dma source(%dma_start3A_36 : memref<250000x64xf32, #tpu.memory_space<hbm>>) target(%dma_start3A_31 : memref<128x64xf32, #tpu.memory_space<vmem>>) offsets(%dma_start3A_33 : memref<128xi32, #tpu.memory_space<vmem>>) offset_filter(%dma_start3A_37) semaphore(%arg8 : memref<!tpu.dma_semaphore, #tpu.memory_space<semaphore_mem>>)
    %dma_start3A_38 = arith.constant 256 : i32
    %dma_start3A_39 = arith.constant 0 : i32
    %dma_start3A_40 = tpu.memref_slice %arg6[%dma_start3A_38, %dma_start3A_39] : memref<640x64xf32, #tpu.memory_space<vmem>> -> memref<128x64xf32, #tpu.memory_space<vmem>>
    %dma_start3A_41 = arith.constant 256 : i32
    %dma_start3A_42 = tpu.memref_slice %arg5[%dma_start3A_41] : memref<25600xi32, #tpu.memory_space<vmem>> -> memref<128xi32, #tpu.memory_space<vmem>>
    %dma_start3A_43 = arith.constant 0 : i32
    %dma_start3A_44 = arith.constant 0 : i32
    %dma_start3A_45 = tpu.memref_slice %arg3[%dma_start3A_43, %dma_start3A_44] : memref<250000x64xf32, #tpu.memory_space<hbm>> -> memref<250000x64xf32, #tpu.memory_space<hbm>>
    %dma_start3A_46 = arith.constant -1 : i32
    tpu.enqueue_indirect_dma source(%dma_start3A_45 : memref<250000x64xf32, #tpu.memory_space<hbm>>) target(%dma_start3A_40 : memref<128x64xf32, #tpu.memory_space<vmem>>) offsets(%dma_start3A_42 : memref<128xi32, #tpu.memory_space<vmem>>) offset_filter(%dma_start3A_46) semaphore(%arg8 : memref<!tpu.dma_semaphore, #tpu.memory_space<semaphore_mem>>)
    %dma_start3A_47 = arith.constant 384 : i32
    %dma_start3A_48 = arith.constant 0 : i32
    %dma_start3A_49 = tpu.memref_slice %arg6[%dma_start3A_47, %dma_start3A_48] : memref<640x64xf32, #tpu.memory_space<vmem>> -> memref<128x64xf32, #tpu.memory_space<vmem>>
    %dma_start3A_50 = arith.constant 384 : i32
    %dma_start3A_51 = tpu.memref_slice %arg5[%dma_start3A_50] : memref<25600xi32, #tpu.memory_space<vmem>> -> memref<128xi32, #tpu.memory_space<vmem>>
    %dma_start3A_52 = arith.constant 0 : i32
    %dma_start3A_53 = arith.constant 0 : i32
    %dma_start3A_54 = tpu.memref_slice %arg3[%dma_start3A_52, %dma_start3A_53] : memref<250000x64xf32, #tpu.memory_space<hbm>> -> memref<250000x64xf32, #tpu.memory_space<hbm>>
    %dma_start3A_55 = arith.constant -1 : i32
    tpu.enqueue_indirect_dma source(%dma_start3A_54 : memref<250000x64xf32, #tpu.memory_space<hbm>>) target(%dma_start3A_49 : memref<128x64xf32, #tpu.memory_space<vmem>>) offsets(%dma_start3A_51 : memref<128xi32, #tpu.memory_space<vmem>>) offset_filter(%dma_start3A_55) semaphore(%arg8 : memref<!tpu.dma_semaphore, #tpu.memory_space<semaphore_mem>>)
    %dma_start3A_56 = arith.constant 512 : i32
    %dma_start3A_57 = arith.constant 0 : i32
    %dma_start3A_58 = tpu.memref_slice %arg6[%dma_start3A_56, %dma_start3A_57] : memref<640x64xf32, #tpu.memory_space<vmem>> -> memref<128x64xf32, #tpu.memory_space<vmem>>
    %dma_start3A_59 = arith.constant 512 : i32
    %dma_start3A_60 = tpu.memref_slice %arg5[%dma_start3A_59] : memref<25600xi32, #tpu.memory_space<vmem>> -> memref<128xi32, #tpu.memory_space<vmem>>
    %dma_start3A_61 = arith.constant 0 : i32
    %dma_start3A_62 = arith.constant 0 : i32
    %dma_start3A_63 = tpu.memref_slice %arg3[%dma_start3A_61, %dma_start3A_62] : memref<250000x64xf32, #tpu.memory_space<hbm>> -> memref<250000x64xf32, #tpu.memory_space<hbm>>
    %dma_start3A_64 = arith.constant -1 : i32
    tpu.enqueue_indirect_dma source(%dma_start3A_63 : memref<250000x64xf32, #tpu.memory_space<hbm>>) target(%dma_start3A_58 : memref<128x64xf32, #tpu.memory_space<vmem>>) offsets(%dma_start3A_60 : memref<128xi32, #tpu.memory_space<vmem>>) offset_filter(%dma_start3A_64) semaphore(%arg8 : memref<!tpu.dma_semaphore, #tpu.memory_space<semaphore_mem>>)
    %scan3A_65 = arith.constant 0 : i32
    %scan3A_66 = arith.constant 0 : i32
    %scan3A_67 = arith.constant 20 : i32
    %scan3A_68 = arith.addi %scan3A_66, %scan3A_67 : i32
    %scan3A_69 = arith.constant 1 : i32
    scf.for %scan3A_71 = %scan3A_66 to %scan3A_68 step %scan3A_69  : i32 {
      %mul3A_72 = arith.constant 2 : i32
      %mul3A_73 = arith.muli %mul3A_72, %scan3A_71 : i32
      %add3A_74 = arith.constant 1 : i32
      %add3A_75 = arith.addi %mul3A_73, %add3A_74 : i32
      %mul3A_76 = arith.constant 640 : i32
      %mul3A_77 = arith.muli %add3A_75, %mul3A_76 : i32
      %add3A_78 = arith.constant 0 : i32
      %add3A_79 = arith.addi %mul3A_77, %add3A_78 : i32
      %dma_start3A_80 = arith.constant 0 : i32
      %dma_start3A_81 = arith.constant 0 : i32
      %dma_start3A_82 = tpu.memref_slice %arg7[%dma_start3A_80, %dma_start3A_81] : memref<640x64xf32, #tpu.memory_space<vmem>> -> memref<128x64xf32, #tpu.memory_space<vmem>>
      %dma_start3A_83 = tpu.memref_slice %arg5[%add3A_79] : memref<25600xi32, #tpu.memory_space<vmem>> -> memref<128xi32, #tpu.memory_space<vmem>>
      %dma_start3A_84 = arith.constant 0 : i32
      %dma_start3A_85 = arith.constant 0 : i32
      %dma_start3A_86 = tpu.memref_slice %arg3[%dma_start3A_84, %dma_start3A_85] : memref<250000x64xf32, #tpu.memory_space<hbm>> -> memref<250000x64xf32, #tpu.memory_space<hbm>>
      %dma_start3A_87 = arith.constant -1 : i32
      tpu.enqueue_indirect_dma source(%dma_start3A_86 : memref<250000x64xf32, #tpu.memory_space<hbm>>) target(%dma_start3A_82 : memref<128x64xf32, #tpu.memory_space<vmem>>) offsets(%dma_start3A_83 : memref<128xi32, #tpu.memory_space<vmem>>) offset_filter(%dma_start3A_87) semaphore(%arg9 : memref<!tpu.dma_semaphore, #tpu.memory_space<semaphore_mem>>)
      %mul3A_88 = arith.constant 640 : i32
      %mul3A_89 = arith.muli %add3A_75, %mul3A_88 : i32
      %add3A_90 = arith.constant 128 : i32
      %add3A_91 = arith.addi %mul3A_89, %add3A_90 : i32
      %dma_start3A_92 = arith.constant 128 : i32
      %dma_start3A_93 = arith.constant 0 : i32
      %dma_start3A_94 = tpu.memref_slice %arg7[%dma_start3A_92, %dma_start3A_93] : memref<640x64xf32, #tpu.memory_space<vmem>> -> memref<128x64xf32, #tpu.memory_space<vmem>>
      %dma_start3A_95 = tpu.memref_slice %arg5[%add3A_91] : memref<25600xi32, #tpu.memory_space<vmem>> -> memref<128xi32, #tpu.memory_space<vmem>>
      %dma_start3A_96 = arith.constant 0 : i32
      %dma_start3A_97 = arith.constant 0 : i32
      %dma_start3A_98 = tpu.memref_slice %arg3[%dma_start3A_96, %dma_start3A_97] : memref<250000x64xf32, #tpu.memory_space<hbm>> -> memref<250000x64xf32, #tpu.memory_space<hbm>>
      %dma_start3A_99 = arith.constant -1 : i32
      tpu.enqueue_indirect_dma source(%dma_start3A_98 : memref<250000x64xf32, #tpu.memory_space<hbm>>) target(%dma_start3A_94 : memref<128x64xf32, #tpu.memory_space<vmem>>) offsets(%dma_start3A_95 : memref<128xi32, #tpu.memory_space<vmem>>) offset_filter(%dma_start3A_99) semaphore(%arg9 : memref<!tpu.dma_semaphore, #tpu.memory_space<semaphore_mem>>)
      %mul3A_100 = arith.constant 640 : i32
      %mul3A_101 = arith.muli %add3A_75, %mul3A_100 : i32
      %add3A_102 = arith.constant 256 : i32
      %add3A_103 = arith.addi %mul3A_101, %add3A_102 : i32
      %dma_start3A_104 = arith.constant 256 : i32
      %dma_start3A_105 = arith.constant 0 : i32
      %dma_start3A_106 = tpu.memref_slice %arg7[%dma_start3A_104, %dma_start3A_105] : memref<640x64xf32, #tpu.memory_space<vmem>> -> memref<128x64xf32, #tpu.memory_space<vmem>>
      %dma_start3A_107 = tpu.memref_slice %arg5[%add3A_103] : memref<25600xi32, #tpu.memory_space<vmem>> -> memref<128xi32, #tpu.memory_space<vmem>>
      %dma_start3A_108 = arith.constant 0 : i32
      %dma_start3A_109 = arith.constant 0 : i32
      %dma_start3A_110 = tpu.memref_slice %arg3[%dma_start3A_108, %dma_start3A_109] : memref<250000x64xf32, #tpu.memory_space<hbm>> -> memref<250000x64xf32, #tpu.memory_space<hbm>>
      %dma_start3A_111 = arith.constant -1 : i32
      tpu.enqueue_indirect_dma source(%dma_start3A_110 : memref<250000x64xf32, #tpu.memory_space<hbm>>) target(%dma_start3A_106 : memref<128x64xf32, #tpu.memory_space<vmem>>) offsets(%dma_start3A_107 : memref<128xi32, #tpu.memory_space<vmem>>) offset_filter(%dma_start3A_111) semaphore(%arg9 : memref<!tpu.dma_semaphore, #tpu.memory_space<semaphore_mem>>)
      %mul3A_112 = arith.constant 640 : i32
      %mul3A_113 = arith.muli %add3A_75, %mul3A_112 : i32
      %add3A_114 = arith.constant 384 : i32
      %add3A_115 = arith.addi %mul3A_113, %add3A_114 : i32
      %dma_start3A_116 = arith.constant 384 : i32
      %dma_start3A_117 = arith.constant 0 : i32
      %dma_start3A_118 = tpu.memref_slice %arg7[%dma_start3A_116, %dma_start3A_117] : memref<640x64xf32, #tpu.memory_space<vmem>> -> memref<128x64xf32, #tpu.memory_space<vmem>>
      %dma_start3A_119 = tpu.memref_slice %arg5[%add3A_115] : memref<25600xi32, #tpu.memory_space<vmem>> -> memref<128xi32, #tpu.memory_space<vmem>>
      %dma_start3A_120 = arith.constant 0 : i32
      %dma_start3A_121 = arith.constant 0 : i32
      %dma_start3A_122 = tpu.memref_slice %arg3[%dma_start3A_120, %dma_start3A_121] : memref<250000x64xf32, #tpu.memory_space<hbm>> -> memref<250000x64xf32, #tpu.memory_space<hbm>>
      %dma_start3A_123 = arith.constant -1 : i32
      tpu.enqueue_indirect_dma source(%dma_start3A_122 : memref<250000x64xf32, #tpu.memory_space<hbm>>) target(%dma_start3A_118 : memref<128x64xf32, #tpu.memory_space<vmem>>) offsets(%dma_start3A_119 : memref<128xi32, #tpu.memory_space<vmem>>) offset_filter(%dma_start3A_123) semaphore(%arg9 : memref<!tpu.dma_semaphore, #tpu.memory_space<semaphore_mem>>)
      %mul3A_124 = arith.constant 640 : i32
      %mul3A_125 = arith.muli %add3A_75, %mul3A_124 : i32
      %add3A_126 = arith.constant 512 : i32
      %add3A_127 = arith.addi %mul3A_125, %add3A_126 : i32
      %dma_start3A_128 = arith.constant 512 : i32
      %dma_start3A_129 = arith.constant 0 : i32
      %dma_start3A_130 = tpu.memref_slice %arg7[%dma_start3A_128, %dma_start3A_129] : memref<640x64xf32, #tpu.memory_space<vmem>> -> memref<128x64xf32, #tpu.memory_space<vmem>>
      %dma_start3A_131 = tpu.memref_slice %arg5[%add3A_127] : memref<25600xi32, #tpu.memory_space<vmem>> -> memref<128xi32, #tpu.memory_space<vmem>>
      %dma_start3A_132 = arith.constant 0 : i32
      %dma_start3A_133 = arith.constant 0 : i32
      %dma_start3A_134 = tpu.memref_slice %arg3[%dma_start3A_132, %dma_start3A_133] : memref<250000x64xf32, #tpu.memory_space<hbm>> -> memref<250000x64xf32, #tpu.memory_space<hbm>>
      %dma_start3A_135 = arith.constant -1 : i32
      tpu.enqueue_indirect_dma source(%dma_start3A_134 : memref<250000x64xf32, #tpu.memory_space<hbm>>) target(%dma_start3A_130 : memref<128x64xf32, #tpu.memory_space<vmem>>) offsets(%dma_start3A_131 : memref<128xi32, #tpu.memory_space<vmem>>) offset_filter(%dma_start3A_135) semaphore(%arg9 : memref<!tpu.dma_semaphore, #tpu.memory_space<semaphore_mem>>)
      %mul3A_136 = arith.constant 640 : i32
      %mul3A_137 = arith.muli %mul3A_73, %mul3A_136 : i32
      %add3A_138 = arith.constant 0 : i32
      %add3A_139 = arith.addi %mul3A_137, %add3A_138 : i32
      %dma_wait3A = arith.constant 0 : i32
      %dma_wait3A_140 = arith.constant 0 : i32
      %dma_wait3A_141 = tpu.memref_slice %arg6[%dma_wait3A, %dma_wait3A_140] : memref<640x64xf32, #tpu.memory_space<vmem>> -> memref<128x64xf32, #tpu.memory_space<vmem>>
      %dma_wait3A_142 = tpu.memref_slice %arg5[%add3A_139] : memref<25600xi32, #tpu.memory_space<vmem>> -> memref<128xi32, #tpu.memory_space<vmem>>
      %dma_wait3A_143 = arith.constant 0 : i32
      %dma_wait3A_144 = arith.constant 0 : i32
      %dma_wait3A_145 = tpu.memref_slice %arg3[%dma_wait3A_143, %dma_wait3A_144] : memref<250000x64xf32, #tpu.memory_space<hbm>> -> memref<250000x64xf32, #tpu.memory_space<hbm>>
      tpu.wait_indirect_dma semaphore(%arg8 : memref<!tpu.dma_semaphore, #tpu.memory_space<semaphore_mem>>) src(%dma_wait3A_145 : memref<250000x64xf32, #tpu.memory_space<hbm>>) dst(%dma_wait3A_141 : memref<128x64xf32, #tpu.memory_space<vmem>>)
      %mul3A_146 = arith.constant 640 : i32
      %mul3A_147 = arith.muli %mul3A_73, %mul3A_146 : i32
      %add3A_148 = arith.constant 128 : i32
      %add3A_149 = arith.addi %mul3A_147, %add3A_148 : i32
      %dma_wait3A_150 = arith.constant 128 : i32
      %dma_wait3A_151 = arith.constant 0 : i32
      %dma_wait3A_152 = tpu.memref_slice %arg6[%dma_wait3A_150, %dma_wait3A_151] : memref<640x64xf32, #tpu.memory_space<vmem>> -> memref<128x64xf32, #tpu.memory_space<vmem>>
      %dma_wait3A_153 = tpu.memref_slice %arg5[%add3A_149] : memref<25600xi32, #tpu.memory_space<vmem>> -> memref<128xi32, #tpu.memory_space<vmem>>
      %dma_wait3A_154 = arith.constant 0 : i32
      %dma_wait3A_155 = arith.constant 0 : i32
      %dma_wait3A_156 = tpu.memref_slice %arg3[%dma_wait3A_154, %dma_wait3A_155] : memref<250000x64xf32, #tpu.memory_space<hbm>> -> memref<250000x64xf32, #tpu.memory_space<hbm>>
      tpu.wait_indirect_dma semaphore(%arg8 : memref<!tpu.dma_semaphore, #tpu.memory_space<semaphore_mem>>) src(%dma_wait3A_156 : memref<250000x64xf32, #tpu.memory_space<hbm>>) dst(%dma_wait3A_152 : memref<128x64xf32, #tpu.memory_space<vmem>>)
      %mul3A_157 = arith.constant 640 : i32
      %mul3A_158 = arith.muli %mul3A_73, %mul3A_157 : i32
      %add3A_159 = arith.constant 256 : i32
      %add3A_160 = arith.addi %mul3A_158, %add3A_159 : i32
      %dma_wait3A_161 = arith.constant 256 : i32
      %dma_wait3A_162 = arith.constant 0 : i32
      %dma_wait3A_163 = tpu.memref_slice %arg6[%dma_wait3A_161, %dma_wait3A_162] : memref<640x64xf32, #tpu.memory_space<vmem>> -> memref<128x64xf32, #tpu.memory_space<vmem>>
      %dma_wait3A_164 = tpu.memref_slice %arg5[%add3A_160] : memref<25600xi32, #tpu.memory_space<vmem>> -> memref<128xi32, #tpu.memory_space<vmem>>
      %dma_wait3A_165 = arith.constant 0 : i32
      %dma_wait3A_166 = arith.constant 0 : i32
      %dma_wait3A_167 = tpu.memref_slice %arg3[%dma_wait3A_165, %dma_wait3A_166] : memref<250000x64xf32, #tpu.memory_space<hbm>> -> memref<250000x64xf32, #tpu.memory_space<hbm>>
      tpu.wait_indirect_dma semaphore(%arg8 : memref<!tpu.dma_semaphore, #tpu.memory_space<semaphore_mem>>) src(%dma_wait3A_167 : memref<250000x64xf32, #tpu.memory_space<hbm>>) dst(%dma_wait3A_163 : memref<128x64xf32, #tpu.memory_space<vmem>>)
      %mul3A_168 = arith.constant 640 : i32
      %mul3A_169 = arith.muli %mul3A_73, %mul3A_168 : i32
      %add3A_170 = arith.constant 384 : i32
      %add3A_171 = arith.addi %mul3A_169, %add3A_170 : i32
      %dma_wait3A_172 = arith.constant 384 : i32
      %dma_wait3A_173 = arith.constant 0 : i32
      %dma_wait3A_174 = tpu.memref_slice %arg6[%dma_wait3A_172, %dma_wait3A_173] : memref<640x64xf32, #tpu.memory_space<vmem>> -> memref<128x64xf32, #tpu.memory_space<vmem>>
      %dma_wait3A_175 = tpu.memref_slice %arg5[%add3A_171] : memref<25600xi32, #tpu.memory_space<vmem>> -> memref<128xi32, #tpu.memory_space<vmem>>
      %dma_wait3A_176 = arith.constant 0 : i32
      %dma_wait3A_177 = arith.constant 0 : i32
      %dma_wait3A_178 = tpu.memref_slice %arg3[%dma_wait3A_176, %dma_wait3A_177] : memref<250000x64xf32, #tpu.memory_space<hbm>> -> memref<250000x64xf32, #tpu.memory_space<hbm>>
      tpu.wait_indirect_dma semaphore(%arg8 : memref<!tpu.dma_semaphore, #tpu.memory_space<semaphore_mem>>) src(%dma_wait3A_178 : memref<250000x64xf32, #tpu.memory_space<hbm>>) dst(%dma_wait3A_174 : memref<128x64xf32, #tpu.memory_space<vmem>>)
      %mul3A_179 = arith.constant 640 : i32
      %mul3A_180 = arith.muli %mul3A_73, %mul3A_179 : i32
      %add3A_181 = arith.constant 512 : i32
      %add3A_182 = arith.addi %mul3A_180, %add3A_181 : i32
      %dma_wait3A_183 = arith.constant 512 : i32
      %dma_wait3A_184 = arith.constant 0 : i32
      %dma_wait3A_185 = tpu.memref_slice %arg6[%dma_wait3A_183, %dma_wait3A_184] : memref<640x64xf32, #tpu.memory_space<vmem>> -> memref<128x64xf32, #tpu.memory_space<vmem>>
      %dma_wait3A_186 = tpu.memref_slice %arg5[%add3A_182] : memref<25600xi32, #tpu.memory_space<vmem>> -> memref<128xi32, #tpu.memory_space<vmem>>
      %dma_wait3A_187 = arith.constant 0 : i32
      %dma_wait3A_188 = arith.constant 0 : i32
      %dma_wait3A_189 = tpu.memref_slice %arg3[%dma_wait3A_187, %dma_wait3A_188] : memref<250000x64xf32, #tpu.memory_space<hbm>> -> memref<250000x64xf32, #tpu.memory_space<hbm>>
      tpu.wait_indirect_dma semaphore(%arg8 : memref<!tpu.dma_semaphore, #tpu.memory_space<semaphore_mem>>) src(%dma_wait3A_189 : memref<250000x64xf32, #tpu.memory_space<hbm>>) dst(%dma_wait3A_185 : memref<128x64xf32, #tpu.memory_space<vmem>>)
      %mul3A_190 = arith.constant 640 : i32
      %mul3A_191 = arith.muli %mul3A_73, %mul3A_190 : i32
      %add3A_192 = arith.addi %mul3A_2, %mul3A_191 : i32
      "tpu.region"() ({
        %run_scoped3A = tpu.sem_alloc : memref<!tpu.dma_semaphore, #tpu.memory_space<semaphore_mem>>
        %dma_start3A_262 = arith.constant 0 : i32
        %dma_start3A_263 = tpu.memref_slice %arg4[%add3A_192, %dma_start3A_262] : memref<819200x64xf32, #tpu.memory_space<hbm>> -> memref<640x64xf32, #tpu.memory_space<hbm>>
        %dma_start3A_264 = arith.constant 0 : i32
        %dma_start3A_265 = tpu.memref_slice %arg4[%add3A_192, %dma_start3A_264] : memref<819200x64xf32, #tpu.memory_space<hbm>> -> memref<640x64xf32, #tpu.memory_space<hbm>>
        tpu.enqueue_dma source(%arg6 : memref<640x64xf32, #tpu.memory_space<vmem>>) target(%dma_start3A_265 : memref<640x64xf32, #tpu.memory_space<hbm>>) target_semaphore(%run_scoped3A : memref<!tpu.dma_semaphore, #tpu.memory_space<semaphore_mem>>)
        %dma_wait3A_266 = arith.constant 0 : i32
        %dma_wait3A_267 = tpu.memref_slice %arg4[%add3A_192, %dma_wait3A_266] : memref<819200x64xf32, #tpu.memory_space<hbm>> -> memref<640x64xf32, #tpu.memory_space<hbm>>
        %dma_wait3A_268 = arith.constant 0 : i32
        %dma_wait3A_269 = tpu.memref_slice %arg4[%add3A_192, %dma_wait3A_268] : memref<819200x64xf32, #tpu.memory_space<hbm>> -> memref<640x64xf32, #tpu.memory_space<hbm>>
        tpu.wait_dma2 semaphore(%run_scoped3A : memref<!tpu.dma_semaphore, #tpu.memory_space<semaphore_mem>>) src(%arg6 : memref<640x64xf32, #tpu.memory_space<vmem>>) dst(%dma_wait3A_269 : memref<640x64xf32, #tpu.memory_space<hbm>>)
        tpu.yield
      }) : () -> ()
      %lt3A = arith.constant 19 : i32
      %lt3A_193 = arith.cmpi slt, %scan3A_71, %lt3A : i32
      %convert_element_type3A = arith.extui %lt3A_193 : i1 to i32
      %cond3A = arith.constant 0 : i32
      %cond3A_194 = arith.cmpi ne, %convert_element_type3A, %cond3A : i32
      scf.if %cond3A_194 {
        %scan3A_262 = arith.constant 0 : i32
        %scan3A_263 = arith.constant 0 : i32
        %scan3A_264 = arith.constant 2560 : i32
        %scan3A_265 = arith.addi %scan3A_263, %scan3A_264 : i32
        %scan3A_266 = arith.constant 8 : i32
        scf.for %scan3A_330 = %scan3A_263 to %scan3A_265 step %scan3A_266  : i32 {
          %jit3A = arith.constant 4 : i32
          %div3A = arith.divsi %scan3A_330, %jit3A : i32
          %sign3A = arith.constant 0 : i32
          %sign3A_331 = arith.cmpi sgt, %scan3A_330, %sign3A : i32
          %sign3A_332 = arith.extui %sign3A_331 : i1 to i32
          %sign3A_333 = arith.constant 0 : i32
          %sign3A_334 = arith.cmpi slt, %scan3A_330, %sign3A_333 : i32
          %sign3A_335 = arith.extui %sign3A_334 : i1 to i32
          %sign3A_336 = arith.subi %sign3A_332, %sign3A_335 : i32
          %sign3A_337 = arith.constant 0 : i32
          %sign3A_338 = arith.cmpi sgt, %jit3A, %sign3A_337 : i32
          %sign3A_339 = arith.extui %sign3A_338 : i1 to i32
          %sign3A_340 = arith.constant 0 : i32
          %sign3A_341 = arith.cmpi slt, %jit3A, %sign3A_340 : i32
          %sign3A_342 = arith.extui %sign3A_341 : i1 to i32
          %sign3A_343 = arith.subi %sign3A_339, %sign3A_342 : i32
          %ne3A = arith.cmpi ne, %sign3A_336, %sign3A_343 : i32
          %rem3A = arith.remsi %scan3A_330, %jit3A : i32
          %ne3A_344 = arith.constant 0 : i32
          %ne3A_345 = arith.cmpi ne, %rem3A, %ne3A_344 : i32
          %and3A = arith.andi %ne3A, %ne3A_345 : i1
          %sub3A = arith.constant 1 : i32
          %sub3A_346 = arith.subi %div3A, %sub3A : i32
          %select_n3A = arith.select %and3A, %sub3A_346, %div3A : i32
          %jit3A_347 = arith.constant 4 : i32
          %eq3A = arith.constant 0 : i32
          %eq3A_348 = arith.cmpi eq, %jit3A_347, %eq3A : i32
          %jit3A_349 = arith.constant 1 : i32
          %select_n3A_350 = arith.select %eq3A_348, %jit3A_349, %jit3A_347 : i32
          %rem3A_351 = arith.remsi %scan3A_330, %select_n3A_350 : i32
          %ne3A_352 = arith.constant 0 : i32
          %ne3A_353 = arith.cmpi ne, %rem3A_351, %ne3A_352 : i32
          %lt3A_354 = arith.constant 0 : i32
          %lt3A_355 = arith.cmpi slt, %rem3A_351, %lt3A_354 : i32
          %lt3A_356 = arith.constant 0 : i32
          %lt3A_357 = arith.cmpi slt, %select_n3A_350, %lt3A_356 : i32
          %ne3A_358 = arith.xori %lt3A_355, %lt3A_357 : i1
          %and3A_359 = arith.andi %ne3A_358, %ne3A_353 : i1
          %add3A_360 = arith.addi %rem3A_351, %select_n3A_350 : i32
          %select_n3A_361 = arith.select %and3A_359, %add3A_360, %rem3A_351 : i32
          %mul3A_362 = arith.constant 16 : i32
          %mul3A_363 = arith.muli %select_n3A_361, %mul3A_362 : i32
          %swap3A = arith.index_cast %select_n3A : i32 to index
          %swap3A_364 = arith.index_cast %mul3A_363 : i32 to index
          %swap3A_365 = tpu.vector_load %arg6[%swap3A, %swap3A_364] {strides = array<i32>} : memref<640x64xf32, #tpu.memory_space<vmem>>, vector<1x16xf32>,
          %swap3A_366 = vector.shape_cast %swap3A_365 : vector<1x16xf32> to vector<16xf32>
          %swap3A_367 = vector.shape_cast %broadcast_in_dim3A_8 : vector<16xf32> to vector<1x16xf32>
          tpu.vector_store %arg6[%swap3A, %swap3A_364], %swap3A_367 {strides = array<i32>} : memref<640x64xf32, #tpu.memory_space<vmem>>, vector<1x16xf32>,
          %scan3A_368 = arith.constant 1 : i32
          %scan3A_369 = arith.addi %scan3A_330, %scan3A_368 : i32
          %jit3A_370 = arith.constant 4 : i32
          %div3A_371 = arith.divsi %scan3A_369, %jit3A_370 : i32
          %sign3A_372 = arith.constant 0 : i32
          %sign3A_373 = arith.cmpi sgt, %scan3A_369, %sign3A_372 : i32
          %sign3A_374 = arith.extui %sign3A_373 : i1 to i32
          %sign3A_375 = arith.constant 0 : i32
          %sign3A_376 = arith.cmpi slt, %scan3A_369, %sign3A_375 : i32
          %sign3A_377 = arith.extui %sign3A_376 : i1 to i32
          %sign3A_378 = arith.subi %sign3A_374, %sign3A_377 : i32
          %sign3A_379 = arith.constant 0 : i32
          %sign3A_380 = arith.cmpi sgt, %jit3A_370, %sign3A_379 : i32
          %sign3A_381 = arith.extui %sign3A_380 : i1 to i32
          %sign3A_382 = arith.constant 0 : i32
          %sign3A_383 = arith.cmpi slt, %jit3A_370, %sign3A_382 : i32
          %sign3A_384 = arith.extui %sign3A_383 : i1 to i32
          %sign3A_385 = arith.subi %sign3A_381, %sign3A_384 : i32
          %ne3A_386 = arith.cmpi ne, %sign3A_378, %sign3A_385 : i32
          %rem3A_387 = arith.remsi %scan3A_369, %jit3A_370 : i32
          %ne3A_388 = arith.constant 0 : i32
          %ne3A_389 = arith.cmpi ne, %rem3A_387, %ne3A_388 : i32
          %and3A_390 = arith.andi %ne3A_386, %ne3A_389 : i1
          %sub3A_391 = arith.constant 1 : i32
          %sub3A_392 = arith.subi %div3A_371, %sub3A_391 : i32
          %select_n3A_393 = arith.select %and3A_390, %sub3A_392, %div3A_371 : i32
          %jit3A_394 = arith.constant 4 : i32
          %eq3A_395 = arith.constant 0 : i32
          %eq3A_396 = arith.cmpi eq, %jit3A_394, %eq3A_395 : i32
          %jit3A_397 = arith.constant 1 : i32
          %select_n3A_398 = arith.select %eq3A_396, %jit3A_397, %jit3A_394 : i32
          %rem3A_399 = arith.remsi %scan3A_369, %select_n3A_398 : i32
          %ne3A_400 = arith.constant 0 : i32
          %ne3A_401 = arith.cmpi ne, %rem3A_399, %ne3A_400 : i32
          %lt3A_402 = arith.constant 0 : i32
          %lt3A_403 = arith.cmpi slt, %rem3A_399, %lt3A_402 : i32
          %lt3A_404 = arith.constant 0 : i32
          %lt3A_405 = arith.cmpi slt, %select_n3A_398, %lt3A_404 : i32
          %ne3A_406 = arith.xori %lt3A_403, %lt3A_405 : i1
          %and3A_407 = arith.andi %ne3A_406, %ne3A_401 : i1
          %add3A_408 = arith.addi %rem3A_399, %select_n3A_398 : i32
          %select_n3A_409 = arith.select %and3A_407, %add3A_408, %rem3A_399 : i32
          %mul3A_410 = arith.constant 16 : i32
          %mul3A_411 = arith.muli %select_n3A_409, %mul3A_410 : i32
          %swap3A_412 = arith.index_cast %select_n3A_393 : i32 to index
          %swap3A_413 = arith.index_cast %mul3A_411 : i32 to index
          %swap3A_414 = tpu.vector_load %arg6[%swap3A_412, %swap3A_413] {strides = array<i32>} : memref<640x64xf32, #tpu.memory_space<vmem>>, vector<1x16xf32>,
          %swap3A_415 = vector.shape_cast %swap3A_414 : vector<1x16xf32> to vector<16xf32>
          %swap3A_416 = vector.shape_cast %broadcast_in_dim3A_8 : vector<16xf32> to vector<1x16xf32>
          tpu.vector_store %arg6[%swap3A_412, %swap3A_413], %swap3A_416 {strides = array<i32>} : memref<640x64xf32, #tpu.memory_space<vmem>>, vector<1x16xf32>,
          %scan3A_417 = arith.constant 2 : i32
          %scan3A_418 = arith.addi %scan3A_330, %scan3A_417 : i32
          %jit3A_419 = arith.constant 4 : i32
          %div3A_420 = arith.divsi %scan3A_418, %jit3A_419 : i32
          %sign3A_421 = arith.constant 0 : i32
          %sign3A_422 = arith.cmpi sgt, %scan3A_418, %sign3A_421 : i32
          %sign3A_423 = arith.extui %sign3A_422 : i1 to i32
          %sign3A_424 = arith.constant 0 : i32
          %sign3A_425 = arith.cmpi slt, %scan3A_418, %sign3A_424 : i32
          %sign3A_426 = arith.extui %sign3A_425 : i1 to i32
          %sign3A_427 = arith.subi %sign3A_423, %sign3A_426 : i32
          %sign3A_428 = arith.constant 0 : i32
          %sign3A_429 = arith.cmpi sgt, %jit3A_419, %sign3A_428 : i32
          %sign3A_430 = arith.extui %sign3A_429 : i1 to i32
          %sign3A_431 = arith.constant 0 : i32
          %sign3A_432 = arith.cmpi slt, %jit3A_419, %sign3A_431 : i32
          %sign3A_433 = arith.extui %sign3A_432 : i1 to i32
          %sign3A_434 = arith.subi %sign3A_430, %sign3A_433 : i32
          %ne3A_435 = arith.cmpi ne, %sign3A_427, %sign3A_434 : i32
          %rem3A_436 = arith.remsi %scan3A_418, %jit3A_419 : i32
          %ne3A_437 = arith.constant 0 : i32
          %ne3A_438 = arith.cmpi ne, %rem3A_436, %ne3A_437 : i32
          %and3A_439 = arith.andi %ne3A_435, %ne3A_438 : i1
          %sub3A_440 = arith.constant 1 : i32
          %sub3A_441 = arith.subi %div3A_420, %sub3A_440 : i32
          %select_n3A_442 = arith.select %and3A_439, %sub3A_441, %div3A_420 : i32
          %jit3A_443 = arith.constant 4 : i32
          %eq3A_444 = arith.constant 0 : i32
          %eq3A_445 = arith.cmpi eq, %jit3A_443, %eq3A_444 : i32
          %jit3A_446 = arith.constant 1 : i32
          %select_n3A_447 = arith.select %eq3A_445, %jit3A_446, %jit3A_443 : i32
          %rem3A_448 = arith.remsi %scan3A_418, %select_n3A_447 : i32
          %ne3A_449 = arith.constant 0 : i32
          %ne3A_450 = arith.cmpi ne, %rem3A_448, %ne3A_449 : i32
          %lt3A_451 = arith.constant 0 : i32
          %lt3A_452 = arith.cmpi slt, %rem3A_448, %lt3A_451 : i32
          %lt3A_453 = arith.constant 0 : i32
          %lt3A_454 = arith.cmpi slt, %select_n3A_447, %lt3A_453 : i32
          %ne3A_455 = arith.xori %lt3A_452, %lt3A_454 : i1
          %and3A_456 = arith.andi %ne3A_455, %ne3A_450 : i1
          %add3A_457 = arith.addi %rem3A_448, %select_n3A_447 : i32
          %select_n3A_458 = arith.select %and3A_456, %add3A_457, %rem3A_448 : i32
          %mul3A_459 = arith.constant 16 : i32
          %mul3A_460 = arith.muli %select_n3A_458, %mul3A_459 : i32
          %swap3A_461 = arith.index_cast %select_n3A_442 : i32 to index
          %swap3A_462 = arith.index_cast %mul3A_460 : i32 to index
          %swap3A_463 = tpu.vector_load %arg6[%swap3A_461, %swap3A_462] {strides = array<i32>} : memref<640x64xf32, #tpu.memory_space<vmem>>, vector<1x16xf32>,
          %swap3A_464 = vector.shape_cast %swap3A_463 : vector<1x16xf32> to vector<16xf32>
          %swap3A_465 = vector.shape_cast %broadcast_in_dim3A_8 : vector<16xf32> to vector<1x16xf32>
          tpu.vector_store %arg6[%swap3A_461, %swap3A_462], %swap3A_465 {strides = array<i32>} : memref<640x64xf32, #tpu.memory_space<vmem>>, vector<1x16xf32>,
          %scan3A_466 = arith.constant 3 : i32
          %scan3A_467 = arith.addi %scan3A_330, %scan3A_466 : i32
          %jit3A_468 = arith.constant 4 : i32
          %div3A_469 = arith.divsi %scan3A_467, %jit3A_468 : i32
          %sign3A_470 = arith.constant 0 : i32
          %sign3A_471 = arith.cmpi sgt, %scan3A_467, %sign3A_470 : i32
          %sign3A_472 = arith.extui %sign3A_471 : i1 to i32
          %sign3A_473 = arith.constant 0 : i32
          %sign3A_474 = arith.cmpi slt, %scan3A_467, %sign3A_473 : i32
          %sign3A_475 = arith.extui %sign3A_474 : i1 to i32
          %sign3A_476 = arith.subi %sign3A_472, %sign3A_475 : i32
          %sign3A_477 = arith.constant 0 : i32
          %sign3A_478 = arith.cmpi sgt, %jit3A_468, %sign3A_477 : i32
          %sign3A_479 = arith.extui %sign3A_478 : i1 to i32
          %sign3A_480 = arith.constant 0 : i32
          %sign3A_481 = arith.cmpi slt, %jit3A_468, %sign3A_480 : i32
          %sign3A_482 = arith.extui %sign3A_481 : i1 to i32
          %sign3A_483 = arith.subi %sign3A_479, %sign3A_482 : i32
          %ne3A_484 = arith.cmpi ne, %sign3A_476, %sign3A_483 : i32
          %rem3A_485 = arith.remsi %scan3A_467, %jit3A_468 : i32
          %ne3A_486 = arith.constant 0 : i32
          %ne3A_487 = arith.cmpi ne, %rem3A_485, %ne3A_486 : i32
          %and3A_488 = arith.andi %ne3A_484, %ne3A_487 : i1
          %sub3A_489 = arith.constant 1 : i32
          %sub3A_490 = arith.subi %div3A_469, %sub3A_489 : i32
          %select_n3A_491 = arith.select %and3A_488, %sub3A_490, %div3A_469 : i32
          %jit3A_492 = arith.constant 4 : i32
          %eq3A_493 = arith.constant 0 : i32
          %eq3A_494 = arith.cmpi eq, %jit3A_492, %eq3A_493 : i32
          %jit3A_495 = arith.constant 1 : i32
          %select_n3A_496 = arith.select %eq3A_494, %jit3A_495, %jit3A_492 : i32
          %rem3A_497 = arith.remsi %scan3A_467, %select_n3A_496 : i32
          %ne3A_498 = arith.constant 0 : i32
          %ne3A_499 = arith.cmpi ne, %rem3A_497, %ne3A_498 : i32
          %lt3A_500 = arith.constant 0 : i32
          %lt3A_501 = arith.cmpi slt, %rem3A_497, %lt3A_500 : i32
          %lt3A_502 = arith.constant 0 : i32
          %lt3A_503 = arith.cmpi slt, %select_n3A_496, %lt3A_502 : i32
          %ne3A_504 = arith.xori %lt3A_501, %lt3A_503 : i1
          %and3A_505 = arith.andi %ne3A_504, %ne3A_499 : i1
          %add3A_506 = arith.addi %rem3A_497, %select_n3A_496 : i32
          %select_n3A_507 = arith.select %and3A_505, %add3A_506, %rem3A_497 : i32
          %mul3A_508 = arith.constant 16 : i32
          %mul3A_509 = arith.muli %select_n3A_507, %mul3A_508 : i32
          %swap3A_510 = arith.index_cast %select_n3A_491 : i32 to index
          %swap3A_511 = arith.index_cast %mul3A_509 : i32 to index
          %swap3A_512 = tpu.vector_load %arg6[%swap3A_510, %swap3A_511] {strides = array<i32>} : memref<640x64xf32, #tpu.memory_space<vmem>>, vector<1x16xf32>,
          %swap3A_513 = vector.shape_cast %swap3A_512 : vector<1x16xf32> to vector<16xf32>
          %swap3A_514 = vector.shape_cast %broadcast_in_dim3A_8 : vector<16xf32> to vector<1x16xf32>
          tpu.vector_store %arg6[%swap3A_510, %swap3A_511], %swap3A_514 {strides = array<i32>} : memref<640x64xf32, #tpu.memory_space<vmem>>, vector<1x16xf32>,
          %scan3A_515 = arith.constant 4 : i32
          %scan3A_516 = arith.addi %scan3A_330, %scan3A_515 : i32
          %jit3A_517 = arith.constant 4 : i32
          %div3A_518 = arith.divsi %scan3A_516, %jit3A_517 : i32
          %sign3A_519 = arith.constant 0 : i32
          %sign3A_520 = arith.cmpi sgt, %scan3A_516, %sign3A_519 : i32
          %sign3A_521 = arith.extui %sign3A_520 : i1 to i32
          %sign3A_522 = arith.constant 0 : i32
          %sign3A_523 = arith.cmpi slt, %scan3A_516, %sign3A_522 : i32
          %sign3A_524 = arith.extui %sign3A_523 : i1 to i32
          %sign3A_525 = arith.subi %sign3A_521, %sign3A_524 : i32
          %sign3A_526 = arith.constant 0 : i32
          %sign3A_527 = arith.cmpi sgt, %jit3A_517, %sign3A_526 : i32
          %sign3A_528 = arith.extui %sign3A_527 : i1 to i32
          %sign3A_529 = arith.constant 0 : i32
          %sign3A_530 = arith.cmpi slt, %jit3A_517, %sign3A_529 : i32
          %sign3A_531 = arith.extui %sign3A_530 : i1 to i32
          %sign3A_532 = arith.subi %sign3A_528, %sign3A_531 : i32
          %ne3A_533 = arith.cmpi ne, %sign3A_525, %sign3A_532 : i32
          %rem3A_534 = arith.remsi %scan3A_516, %jit3A_517 : i32
          %ne3A_535 = arith.constant 0 : i32
          %ne3A_536 = arith.cmpi ne, %rem3A_534, %ne3A_535 : i32
          %and3A_537 = arith.andi %ne3A_533, %ne3A_536 : i1
          %sub3A_538 = arith.constant 1 : i32
          %sub3A_539 = arith.subi %div3A_518, %sub3A_538 : i32
          %select_n3A_540 = arith.select %and3A_537, %sub3A_539, %div3A_518 : i32
          %jit3A_541 = arith.constant 4 : i32
          %eq3A_542 = arith.constant 0 : i32
          %eq3A_543 = arith.cmpi eq, %jit3A_541, %eq3A_542 : i32
          %jit3A_544 = arith.constant 1 : i32
          %select_n3A_545 = arith.select %eq3A_543, %jit3A_544, %jit3A_541 : i32
          %rem3A_546 = arith.remsi %scan3A_516, %select_n3A_545 : i32
          %ne3A_547 = arith.constant 0 : i32
          %ne3A_548 = arith.cmpi ne, %rem3A_546, %ne3A_547 : i32
          %lt3A_549 = arith.constant 0 : i32
          %lt3A_550 = arith.cmpi slt, %rem3A_546, %lt3A_549 : i32
          %lt3A_551 = arith.constant 0 : i32
          %lt3A_552 = arith.cmpi slt, %select_n3A_545, %lt3A_551 : i32
          %ne3A_553 = arith.xori %lt3A_550, %lt3A_552 : i1
          %and3A_554 = arith.andi %ne3A_553, %ne3A_548 : i1
          %add3A_555 = arith.addi %rem3A_546, %select_n3A_545 : i32
          %select_n3A_556 = arith.select %and3A_554, %add3A_555, %rem3A_546 : i32
          %mul3A_557 = arith.constant 16 : i32
          %mul3A_558 = arith.muli %select_n3A_556, %mul3A_557 : i32
          %swap3A_559 = arith.index_cast %select_n3A_540 : i32 to index
          %swap3A_560 = arith.index_cast %mul3A_558 : i32 to index
          %swap3A_561 = tpu.vector_load %arg6[%swap3A_559, %swap3A_560] {strides = array<i32>} : memref<640x64xf32, #tpu.memory_space<vmem>>, vector<1x16xf32>,
          %swap3A_562 = vector.shape_cast %swap3A_561 : vector<1x16xf32> to vector<16xf32>
          %swap3A_563 = vector.shape_cast %broadcast_in_dim3A_8 : vector<16xf32> to vector<1x16xf32>
          tpu.vector_store %arg6[%swap3A_559, %swap3A_560], %swap3A_563 {strides = array<i32>} : memref<640x64xf32, #tpu.memory_space<vmem>>, vector<1x16xf32>,
          %scan3A_564 = arith.constant 5 : i32
          %scan3A_565 = arith.addi %scan3A_330, %scan3A_564 : i32
          %jit3A_566 = arith.constant 4 : i32
          %div3A_567 = arith.divsi %scan3A_565, %jit3A_566 : i32
          %sign3A_568 = arith.constant 0 : i32
          %sign3A_569 = arith.cmpi sgt, %scan3A_565, %sign3A_568 : i32
          %sign3A_570 = arith.extui %sign3A_569 : i1 to i32
          %sign3A_571 = arith.constant 0 : i32
          %sign3A_572 = arith.cmpi slt, %scan3A_565, %sign3A_571 : i32
          %sign3A_573 = arith.extui %sign3A_572 : i1 to i32
          %sign3A_574 = arith.subi %sign3A_570, %sign3A_573 : i32
          %sign3A_575 = arith.constant 0 : i32
          %sign3A_576 = arith.cmpi sgt, %jit3A_566, %sign3A_575 : i32
          %sign3A_577 = arith.extui %sign3A_576 : i1 to i32
          %sign3A_578 = arith.constant 0 : i32
          %sign3A_579 = arith.cmpi slt, %jit3A_566, %sign3A_578 : i32
          %sign3A_580 = arith.extui %sign3A_579 : i1 to i32
          %sign3A_581 = arith.subi %sign3A_577, %sign3A_580 : i32
          %ne3A_582 = arith.cmpi ne, %sign3A_574, %sign3A_581 : i32
          %rem3A_583 = arith.remsi %scan3A_565, %jit3A_566 : i32
          %ne3A_584 = arith.constant 0 : i32
          %ne3A_585 = arith.cmpi ne, %rem3A_583, %ne3A_584 : i32
          %and3A_586 = arith.andi %ne3A_582, %ne3A_585 : i1
          %sub3A_587 = arith.constant 1 : i32
          %sub3A_588 = arith.subi %div3A_567, %sub3A_587 : i32
          %select_n3A_589 = arith.select %and3A_586, %sub3A_588, %div3A_567 : i32
          %jit3A_590 = arith.constant 4 : i32
          %eq3A_591 = arith.constant 0 : i32
          %eq3A_592 = arith.cmpi eq, %jit3A_590, %eq3A_591 : i32
          %jit3A_593 = arith.constant 1 : i32
          %select_n3A_594 = arith.select %eq3A_592, %jit3A_593, %jit3A_590 : i32
          %rem3A_595 = arith.remsi %scan3A_565, %select_n3A_594 : i32
          %ne3A_596 = arith.constant 0 : i32
          %ne3A_597 = arith.cmpi ne, %rem3A_595, %ne3A_596 : i32
          %lt3A_598 = arith.constant 0 : i32
          %lt3A_599 = arith.cmpi slt, %rem3A_595, %lt3A_598 : i32
          %lt3A_600 = arith.constant 0 : i32
          %lt3A_601 = arith.cmpi slt, %select_n3A_594, %lt3A_600 : i32
          %ne3A_602 = arith.xori %lt3A_599, %lt3A_601 : i1
          %and3A_603 = arith.andi %ne3A_602, %ne3A_597 : i1
          %add3A_604 = arith.addi %rem3A_595, %select_n3A_594 : i32
          %select_n3A_605 = arith.select %and3A_603, %add3A_604, %rem3A_595 : i32
          %mul3A_606 = arith.constant 16 : i32
          %mul3A_607 = arith.muli %select_n3A_605, %mul3A_606 : i32
          %swap3A_608 = arith.index_cast %select_n3A_589 : i32 to index
          %swap3A_609 = arith.index_cast %mul3A_607 : i32 to index
          %swap3A_610 = tpu.vector_load %arg6[%swap3A_608, %swap3A_609] {strides = array<i32>} : memref<640x64xf32, #tpu.memory_space<vmem>>, vector<1x16xf32>,
          %swap3A_611 = vector.shape_cast %swap3A_610 : vector<1x16xf32> to vector<16xf32>
          %swap3A_612 = vector.shape_cast %broadcast_in_dim3A_8 : vector<16xf32> to vector<1x16xf32>
          tpu.vector_store %arg6[%swap3A_608, %swap3A_609], %swap3A_612 {strides = array<i32>} : memref<640x64xf32, #tpu.memory_space<vmem>>, vector<1x16xf32>,
          %scan3A_613 = arith.constant 6 : i32
          %scan3A_614 = arith.addi %scan3A_330, %scan3A_613 : i32
          %jit3A_615 = arith.constant 4 : i32
          %div3A_616 = arith.divsi %scan3A_614, %jit3A_615 : i32
          %sign3A_617 = arith.constant 0 : i32
          %sign3A_618 = arith.cmpi sgt, %scan3A_614, %sign3A_617 : i32
          %sign3A_619 = arith.extui %sign3A_618 : i1 to i32
          %sign3A_620 = arith.constant 0 : i32
          %sign3A_621 = arith.cmpi slt, %scan3A_614, %sign3A_620 : i32
          %sign3A_622 = arith.extui %sign3A_621 : i1 to i32
          %sign3A_623 = arith.subi %sign3A_619, %sign3A_622 : i32
          %sign3A_624 = arith.constant 0 : i32
          %sign3A_625 = arith.cmpi sgt, %jit3A_615, %sign3A_624 : i32
          %sign3A_626 = arith.extui %sign3A_625 : i1 to i32
          %sign3A_627 = arith.constant 0 : i32
          %sign3A_628 = arith.cmpi slt, %jit3A_615, %sign3A_627 : i32
          %sign3A_629 = arith.extui %sign3A_628 : i1 to i32
          %sign3A_630 = arith.subi %sign3A_626, %sign3A_629 : i32
          %ne3A_631 = arith.cmpi ne, %sign3A_623, %sign3A_630 : i32
          %rem3A_632 = arith.remsi %scan3A_614, %jit3A_615 : i32
          %ne3A_633 = arith.constant 0 : i32
          %ne3A_634 = arith.cmpi ne, %rem3A_632, %ne3A_633 : i32
          %and3A_635 = arith.andi %ne3A_631, %ne3A_634 : i1
          %sub3A_636 = arith.constant 1 : i32
          %sub3A_637 = arith.subi %div3A_616, %sub3A_636 : i32
          %select_n3A_638 = arith.select %and3A_635, %sub3A_637, %div3A_616 : i32
          %jit3A_639 = arith.constant 4 : i32
          %eq3A_640 = arith.constant 0 : i32
          %eq3A_641 = arith.cmpi eq, %jit3A_639, %eq3A_640 : i32
          %jit3A_642 = arith.constant 1 : i32
          %select_n3A_643 = arith.select %eq3A_641, %jit3A_642, %jit3A_639 : i32
          %rem3A_644 = arith.remsi %scan3A_614, %select_n3A_643 : i32
          %ne3A_645 = arith.constant 0 : i32
          %ne3A_646 = arith.cmpi ne, %rem3A_644, %ne3A_645 : i32
          %lt3A_647 = arith.constant 0 : i32
          %lt3A_648 = arith.cmpi slt, %rem3A_644, %lt3A_647 : i32
          %lt3A_649 = arith.constant 0 : i32
          %lt3A_650 = arith.cmpi slt, %select_n3A_643, %lt3A_649 : i32
          %ne3A_651 = arith.xori %lt3A_648, %lt3A_650 : i1
          %and3A_652 = arith.andi %ne3A_651, %ne3A_646 : i1
          %add3A_653 = arith.addi %rem3A_644, %select_n3A_643 : i32
          %select_n3A_654 = arith.select %and3A_652, %add3A_653, %rem3A_644 : i32
          %mul3A_655 = arith.constant 16 : i32
          %mul3A_656 = arith.muli %select_n3A_654, %mul3A_655 : i32
          %swap3A_657 = arith.index_cast %select_n3A_638 : i32 to index
          %swap3A_658 = arith.index_cast %mul3A_656 : i32 to index
          %swap3A_659 = tpu.vector_load %arg6[%swap3A_657, %swap3A_658] {strides = array<i32>} : memref<640x64xf32, #tpu.memory_space<vmem>>, vector<1x16xf32>,
          %swap3A_660 = vector.shape_cast %swap3A_659 : vector<1x16xf32> to vector<16xf32>
          %swap3A_661 = vector.shape_cast %broadcast_in_dim3A_8 : vector<16xf32> to vector<1x16xf32>
          tpu.vector_store %arg6[%swap3A_657, %swap3A_658], %swap3A_661 {strides = array<i32>} : memref<640x64xf32, #tpu.memory_space<vmem>>, vector<1x16xf32>,
          %scan3A_662 = arith.constant 7 : i32
          %scan3A_663 = arith.addi %scan3A_330, %scan3A_662 : i32
          %jit3A_664 = arith.constant 4 : i32
          %div3A_665 = arith.divsi %scan3A_663, %jit3A_664 : i32
          %sign3A_666 = arith.constant 0 : i32
          %sign3A_667 = arith.cmpi sgt, %scan3A_663, %sign3A_666 : i32
          %sign3A_668 = arith.extui %sign3A_667 : i1 to i32
          %sign3A_669 = arith.constant 0 : i32
          %sign3A_670 = arith.cmpi slt, %scan3A_663, %sign3A_669 : i32
          %sign3A_671 = arith.extui %sign3A_670 : i1 to i32
          %sign3A_672 = arith.subi %sign3A_668, %sign3A_671 : i32
          %sign3A_673 = arith.constant 0 : i32
          %sign3A_674 = arith.cmpi sgt, %jit3A_664, %sign3A_673 : i32
          %sign3A_675 = arith.extui %sign3A_674 : i1 to i32
          %sign3A_676 = arith.constant 0 : i32
          %sign3A_677 = arith.cmpi slt, %jit3A_664, %sign3A_676 : i32
          %sign3A_678 = arith.extui %sign3A_677 : i1 to i32
          %sign3A_679 = arith.subi %sign3A_675, %sign3A_678 : i32
          %ne3A_680 = arith.cmpi ne, %sign3A_672, %sign3A_679 : i32
          %rem3A_681 = arith.remsi %scan3A_663, %jit3A_664 : i32
          %ne3A_682 = arith.constant 0 : i32
          %ne3A_683 = arith.cmpi ne, %rem3A_681, %ne3A_682 : i32
          %and3A_684 = arith.andi %ne3A_680, %ne3A_683 : i1
          %sub3A_685 = arith.constant 1 : i32
          %sub3A_686 = arith.subi %div3A_665, %sub3A_685 : i32
          %select_n3A_687 = arith.select %and3A_684, %sub3A_686, %div3A_665 : i32
          %jit3A_688 = arith.constant 4 : i32
          %eq3A_689 = arith.constant 0 : i32
          %eq3A_690 = arith.cmpi eq, %jit3A_688, %eq3A_689 : i32
          %jit3A_691 = arith.constant 1 : i32
          %select_n3A_692 = arith.select %eq3A_690, %jit3A_691, %jit3A_688 : i32
          %rem3A_693 = arith.remsi %scan3A_663, %select_n3A_692 : i32
          %ne3A_694 = arith.constant 0 : i32
          %ne3A_695 = arith.cmpi ne, %rem3A_693, %ne3A_694 : i32
          %lt3A_696 = arith.constant 0 : i32
          %lt3A_697 = arith.cmpi slt, %rem3A_693, %lt3A_696 : i32
          %lt3A_698 = arith.constant 0 : i32
          %lt3A_699 = arith.cmpi slt, %select_n3A_692, %lt3A_698 : i32
          %ne3A_700 = arith.xori %lt3A_697, %lt3A_699 : i1
          %and3A_701 = arith.andi %ne3A_700, %ne3A_695 : i1
          %add3A_702 = arith.addi %rem3A_693, %select_n3A_692 : i32
          %select_n3A_703 = arith.select %and3A_701, %add3A_702, %rem3A_693 : i32
          %mul3A_704 = arith.constant 16 : i32
          %mul3A_705 = arith.muli %select_n3A_703, %mul3A_704 : i32
          %swap3A_706 = arith.index_cast %select_n3A_687 : i32 to index
          %swap3A_707 = arith.index_cast %mul3A_705 : i32 to index
          %swap3A_708 = tpu.vector_load %arg6[%swap3A_706, %swap3A_707] {strides = array<i32>} : memref<640x64xf32, #tpu.memory_space<vmem>>, vector<1x16xf32>,
          %swap3A_709 = vector.shape_cast %swap3A_708 : vector<1x16xf32> to vector<16xf32>
          %swap3A_710 = vector.shape_cast %broadcast_in_dim3A_8 : vector<16xf32> to vector<1x16xf32>
          tpu.vector_store %arg6[%swap3A_706, %swap3A_707], %swap3A_710 {strides = array<i32>} : memref<640x64xf32, #tpu.memory_space<vmem>>, vector<1x16xf32>,
        }
        %scan3A_267 = arith.constant 2560 : i32
        %add3A_268 = arith.constant 2 : i32
        %add3A_269 = arith.addi %mul3A_73, %add3A_268 : i32
        %mul3A_270 = arith.constant 640 : i32
        %mul3A_271 = arith.muli %add3A_269, %mul3A_270 : i32
        %add3A_272 = arith.constant 0 : i32
        %add3A_273 = arith.addi %mul3A_271, %add3A_272 : i32
        %dma_start3A_274 = arith.constant 0 : i32
        %dma_start3A_275 = arith.constant 0 : i32
        %dma_start3A_276 = tpu.memref_slice %arg6[%dma_start3A_274, %dma_start3A_275] : memref<640x64xf32, #tpu.memory_space<vmem>> -> memref<128x64xf32, #tpu.memory_space<vmem>>
        %dma_start3A_277 = tpu.memref_slice %arg5[%add3A_273] : memref<25600xi32, #tpu.memory_space<vmem>> -> memref<128xi32, #tpu.memory_space<vmem>>
        %dma_start3A_278 = arith.constant 0 : i32
        %dma_start3A_279 = arith.constant 0 : i32
        %dma_start3A_280 = tpu.memref_slice %arg3[%dma_start3A_278, %dma_start3A_279] : memref<250000x64xf32, #tpu.memory_space<hbm>> -> memref<250000x64xf32, #tpu.memory_space<hbm>>
        %dma_start3A_281 = arith.constant -1 : i32
        tpu.enqueue_indirect_dma source(%dma_start3A_280 : memref<250000x64xf32, #tpu.memory_space<hbm>>) target(%dma_start3A_276 : memref<128x64xf32, #tpu.memory_space<vmem>>) offsets(%dma_start3A_277 : memref<128xi32, #tpu.memory_space<vmem>>) offset_filter(%dma_start3A_281) semaphore(%arg8 : memref<!tpu.dma_semaphore, #tpu.memory_space<semaphore_mem>>)
        %mul3A_282 = arith.constant 640 : i32
        %mul3A_283 = arith.muli %add3A_269, %mul3A_282 : i32
        %add3A_284 = arith.constant 128 : i32
        %add3A_285 = arith.addi %mul3A_283, %add3A_284 : i32
        %dma_start3A_286 = arith.constant 128 : i32
        %dma_start3A_287 = arith.constant 0 : i32
        %dma_start3A_288 = tpu.memref_slice %arg6[%dma_start3A_286, %dma_start3A_287] : memref<640x64xf32, #tpu.memory_space<vmem>> -> memref<128x64xf32, #tpu.memory_space<vmem>>
        %dma_start3A_289 = tpu.memref_slice %arg5[%add3A_285] : memref<25600xi32, #tpu.memory_space<vmem>> -> memref<128xi32, #tpu.memory_space<vmem>>
        %dma_start3A_290 = arith.constant 0 : i32
        %dma_start3A_291 = arith.constant 0 : i32
        %dma_start3A_292 = tpu.memref_slice %arg3[%dma_start3A_290, %dma_start3A_291] : memref<250000x64xf32, #tpu.memory_space<hbm>> -> memref<250000x64xf32, #tpu.memory_space<hbm>>
        %dma_start3A_293 = arith.constant -1 : i32
        tpu.enqueue_indirect_dma source(%dma_start3A_292 : memref<250000x64xf32, #tpu.memory_space<hbm>>) target(%dma_start3A_288 : memref<128x64xf32, #tpu.memory_space<vmem>>) offsets(%dma_start3A_289 : memref<128xi32, #tpu.memory_space<vmem>>) offset_filter(%dma_start3A_293) semaphore(%arg8 : memref<!tpu.dma_semaphore, #tpu.memory_space<semaphore_mem>>)
        %mul3A_294 = arith.constant 640 : i32
        %mul3A_295 = arith.muli %add3A_269, %mul3A_294 : i32
        %add3A_296 = arith.constant 256 : i32
        %add3A_297 = arith.addi %mul3A_295, %add3A_296 : i32
        %dma_start3A_298 = arith.constant 256 : i32
        %dma_start3A_299 = arith.constant 0 : i32
        %dma_start3A_300 = tpu.memref_slice %arg6[%dma_start3A_298, %dma_start3A_299] : memref<640x64xf32, #tpu.memory_space<vmem>> -> memref<128x64xf32, #tpu.memory_space<vmem>>
        %dma_start3A_301 = tpu.memref_slice %arg5[%add3A_297] : memref<25600xi32, #tpu.memory_space<vmem>> -> memref<128xi32, #tpu.memory_space<vmem>>
        %dma_start3A_302 = arith.constant 0 : i32
        %dma_start3A_303 = arith.constant 0 : i32
        %dma_start3A_304 = tpu.memref_slice %arg3[%dma_start3A_302, %dma_start3A_303] : memref<250000x64xf32, #tpu.memory_space<hbm>> -> memref<250000x64xf32, #tpu.memory_space<hbm>>
        %dma_start3A_305 = arith.constant -1 : i32
        tpu.enqueue_indirect_dma source(%dma_start3A_304 : memref<250000x64xf32, #tpu.memory_space<hbm>>) target(%dma_start3A_300 : memref<128x64xf32, #tpu.memory_space<vmem>>) offsets(%dma_start3A_301 : memref<128xi32, #tpu.memory_space<vmem>>) offset_filter(%dma_start3A_305) semaphore(%arg8 : memref<!tpu.dma_semaphore, #tpu.memory_space<semaphore_mem>>)
        %mul3A_306 = arith.constant 640 : i32
        %mul3A_307 = arith.muli %add3A_269, %mul3A_306 : i32
        %add3A_308 = arith.constant 384 : i32
        %add3A_309 = arith.addi %mul3A_307, %add3A_308 : i32
        %dma_start3A_310 = arith.constant 384 : i32
        %dma_start3A_311 = arith.constant 0 : i32
        %dma_start3A_312 = tpu.memref_slice %arg6[%dma_start3A_310, %dma_start3A_311] : memref<640x64xf32, #tpu.memory_space<vmem>> -> memref<128x64xf32, #tpu.memory_space<vmem>>
        %dma_start3A_313 = tpu.memref_slice %arg5[%add3A_309] : memref<25600xi32, #tpu.memory_space<vmem>> -> memref<128xi32, #tpu.memory_space<vmem>>
        %dma_start3A_314 = arith.constant 0 : i32
        %dma_start3A_315 = arith.constant 0 : i32
        %dma_start3A_316 = tpu.memref_slice %arg3[%dma_start3A_314, %dma_start3A_315] : memref<250000x64xf32, #tpu.memory_space<hbm>> -> memref<250000x64xf32, #tpu.memory_space<hbm>>
        %dma_start3A_317 = arith.constant -1 : i32
        tpu.enqueue_indirect_dma source(%dma_start3A_316 : memref<250000x64xf32, #tpu.memory_space<hbm>>) target(%dma_start3A_312 : memref<128x64xf32, #tpu.memory_space<vmem>>) offsets(%dma_start3A_313 : memref<128xi32, #tpu.memory_space<vmem>>) offset_filter(%dma_start3A_317) semaphore(%arg8 : memref<!tpu.dma_semaphore, #tpu.memory_space<semaphore_mem>>)
        %mul3A_318 = arith.constant 640 : i32
        %mul3A_319 = arith.muli %add3A_269, %mul3A_318 : i32
        %add3A_320 = arith.constant 512 : i32
        %add3A_321 = arith.addi %mul3A_319, %add3A_320 : i32
        %dma_start3A_322 = arith.constant 512 : i32
        %dma_start3A_323 = arith.constant 0 : i32
        %dma_start3A_324 = tpu.memref_slice %arg6[%dma_start3A_322, %dma_start3A_323] : memref<640x64xf32, #tpu.memory_space<vmem>> -> memref<128x64xf32, #tpu.memory_space<vmem>>
        %dma_start3A_325 = tpu.memref_slice %arg5[%add3A_321] : memref<25600xi32, #tpu.memory_space<vmem>> -> memref<128xi32, #tpu.memory_space<vmem>>
        %dma_start3A_326 = arith.constant 0 : i32
        %dma_start3A_327 = arith.constant 0 : i32
        %dma_start3A_328 = tpu.memref_slice %arg3[%dma_start3A_326, %dma_start3A_327] : memref<250000x64xf32, #tpu.memory_space<hbm>> -> memref<250000x64xf32, #tpu.memory_space<hbm>>
        %dma_start3A_329 = arith.constant -1 : i32
        tpu.enqueue_indirect_dma source(%dma_start3A_328 : memref<250000x64xf32, #tpu.memory_space<hbm>>) target(%dma_start3A_324 : memref<128x64xf32, #tpu.memory_space<vmem>>) offsets(%dma_start3A_325 : memref<128xi32, #tpu.memory_space<vmem>>) offset_filter(%dma_start3A_329) semaphore(%arg8 : memref<!tpu.dma_semaphore, #tpu.memory_space<semaphore_mem>>)
      } else {
      }
      %add3A_195 = arith.constant 1 : i32
      %add3A_196 = arith.addi %mul3A_73, %add3A_195 : i32
      %mul3A_197 = arith.constant 640 : i32
      %mul3A_198 = arith.muli %add3A_196, %mul3A_197 : i32
      %add3A_199 = arith.constant 0 : i32
      %add3A_200 = arith.addi %mul3A_198, %add3A_199 : i32
      %dma_wait3A_201 = arith.constant 0 : i32
      %dma_wait3A_202 = arith.constant 0 : i32
      %dma_wait3A_203 = tpu.memref_slice %arg7[%dma_wait3A_201, %dma_wait3A_202] : memref<640x64xf32, #tpu.memory_space<vmem>> -> memref<128x64xf32, #tpu.memory_space<vmem>>
      %dma_wait3A_204 = tpu.memref_slice %arg5[%add3A_200] : memref<25600xi32, #tpu.memory_space<vmem>> -> memref<128xi32, #tpu.memory_space<vmem>>
      %dma_wait3A_205 = arith.constant 0 : i32
      %dma_wait3A_206 = arith.constant 0 : i32
      %dma_wait3A_207 = tpu.memref_slice %arg3[%dma_wait3A_205, %dma_wait3A_206] : memref<250000x64xf32, #tpu.memory_space<hbm>> -> memref<250000x64xf32, #tpu.memory_space<hbm>>
      tpu.wait_indirect_dma semaphore(%arg9 : memref<!tpu.dma_semaphore, #tpu.memory_space<semaphore_mem>>) src(%dma_wait3A_207 : memref<250000x64xf32, #tpu.memory_space<hbm>>) dst(%dma_wait3A_203 : memref<128x64xf32, #tpu.memory_space<vmem>>)
      %mul3A_208 = arith.constant 640 : i32
      %mul3A_209 = arith.muli %add3A_196, %mul3A_208 : i32
      %add3A_210 = arith.constant 128 : i32
      %add3A_211 = arith.addi %mul3A_209, %add3A_210 : i32
      %dma_wait3A_212 = arith.constant 128 : i32
      %dma_wait3A_213 = arith.constant 0 : i32
      %dma_wait3A_214 = tpu.memref_slice %arg7[%dma_wait3A_212, %dma_wait3A_213] : memref<640x64xf32, #tpu.memory_space<vmem>> -> memref<128x64xf32, #tpu.memory_space<vmem>>
      %dma_wait3A_215 = tpu.memref_slice %arg5[%add3A_211] : memref<25600xi32, #tpu.memory_space<vmem>> -> memref<128xi32, #tpu.memory_space<vmem>>
      %dma_wait3A_216 = arith.constant 0 : i32
      %dma_wait3A_217 = arith.constant 0 : i32
      %dma_wait3A_218 = tpu.memref_slice %arg3[%dma_wait3A_216, %dma_wait3A_217] : memref<250000x64xf32, #tpu.memory_space<hbm>> -> memref<250000x64xf32, #tpu.memory_space<hbm>>
      tpu.wait_indirect_dma semaphore(%arg9 : memref<!tpu.dma_semaphore, #tpu.memory_space<semaphore_mem>>) src(%dma_wait3A_218 : memref<250000x64xf32, #tpu.memory_space<hbm>>) dst(%dma_wait3A_214 : memref<128x64xf32, #tpu.memory_space<vmem>>)
      %mul3A_219 = arith.constant 640 : i32
      %mul3A_220 = arith.muli %add3A_196, %mul3A_219 : i32
      %add3A_221 = arith.constant 256 : i32
      %add3A_222 = arith.addi %mul3A_220, %add3A_221 : i32
      %dma_wait3A_223 = arith.constant 256 : i32
      %dma_wait3A_224 = arith.constant 0 : i32
      %dma_wait3A_225 = tpu.memref_slice %arg7[%dma_wait3A_223, %dma_wait3A_224] : memref<640x64xf32, #tpu.memory_space<vmem>> -> memref<128x64xf32, #tpu.memory_space<vmem>>
      %dma_wait3A_226 = tpu.memref_slice %arg5[%add3A_222] : memref<25600xi32, #tpu.memory_space<vmem>> -> memref<128xi32, #tpu.memory_space<vmem>>
      %dma_wait3A_227 = arith.constant 0 : i32
      %dma_wait3A_228 = arith.constant 0 : i32
      %dma_wait3A_229 = tpu.memref_slice %arg3[%dma_wait3A_227, %dma_wait3A_228] : memref<250000x64xf32, #tpu.memory_space<hbm>> -> memref<250000x64xf32, #tpu.memory_space<hbm>>
      tpu.wait_indirect_dma semaphore(%arg9 : memref<!tpu.dma_semaphore, #tpu.memory_space<semaphore_mem>>) src(%dma_wait3A_229 : memref<250000x64xf32, #tpu.memory_space<hbm>>) dst(%dma_wait3A_225 : memref<128x64xf32, #tpu.memory_space<vmem>>)
      %mul3A_230 = arith.constant 640 : i32
      %mul3A_231 = arith.muli %add3A_196, %mul3A_230 : i32
      %add3A_232 = arith.constant 384 : i32
      %add3A_233 = arith.addi %mul3A_231, %add3A_232 : i32
      %dma_wait3A_234 = arith.constant 384 : i32
      %dma_wait3A_235 = arith.constant 0 : i32
      %dma_wait3A_236 = tpu.memref_slice %arg7[%dma_wait3A_234, %dma_wait3A_235] : memref<640x64xf32, #tpu.memory_space<vmem>> -> memref<128x64xf32, #tpu.memory_space<vmem>>
      %dma_wait3A_237 = tpu.memref_slice %arg5[%add3A_233] : memref<25600xi32, #tpu.memory_space<vmem>> -> memref<128xi32, #tpu.memory_space<vmem>>
      %dma_wait3A_238 = arith.constant 0 : i32
      %dma_wait3A_239 = arith.constant 0 : i32
      %dma_wait3A_240 = tpu.memref_slice %arg3[%dma_wait3A_238, %dma_wait3A_239] : memref<250000x64xf32, #tpu.memory_space<hbm>> -> memref<250000x64xf32, #tpu.memory_space<hbm>>
      tpu.wait_indirect_dma semaphore(%arg9 : memref<!tpu.dma_semaphore, #tpu.memory_space<semaphore_mem>>) src(%dma_wait3A_240 : memref<250000x64xf32, #tpu.memory_space<hbm>>) dst(%dma_wait3A_236 : memref<128x64xf32, #tpu.memory_space<vmem>>)
      %mul3A_241 = arith.constant 640 : i32
      %mul3A_242 = arith.muli %add3A_196, %mul3A_241 : i32
      %add3A_243 = arith.constant 512 : i32
      %add3A_244 = arith.addi %mul3A_242, %add3A_243 : i32
      %dma_wait3A_245 = arith.constant 512 : i32
      %dma_wait3A_246 = arith.constant 0 : i32
      %dma_wait3A_247 = tpu.memref_slice %arg7[%dma_wait3A_245, %dma_wait3A_246] : memref<640x64xf32, #tpu.memory_space<vmem>> -> memref<128x64xf32, #tpu.memory_space<vmem>>
      %dma_wait3A_248 = tpu.memref_slice %arg5[%add3A_244] : memref<25600xi32, #tpu.memory_space<vmem>> -> memref<128xi32, #tpu.memory_space<vmem>>
      %dma_wait3A_249 = arith.constant 0 : i32
      %dma_wait3A_250 = arith.constant 0 : i32
      %dma_wait3A_251 = tpu.memref_slice %arg3[%dma_wait3A_249, %dma_wait3A_250] : memref<250000x64xf32, #tpu.memory_space<hbm>> -> memref<250000x64xf32, #tpu.memory_space<hbm>>
      tpu.wait_indirect_dma semaphore(%arg9 : memref<!tpu.dma_semaphore, #tpu.memory_space<semaphore_mem>>) src(%dma_wait3A_251 : memref<250000x64xf32, #tpu.memory_space<hbm>>) dst(%dma_wait3A_247 : memref<128x64xf32, #tpu.memory_space<vmem>>)
      %add3A_252 = arith.constant 1 : i32
      %add3A_253 = arith.addi %mul3A_73, %add3A_252 : i32
      %mul3A_254 = arith.constant 640 : i32
      %mul3A_255 = arith.muli %add3A_253, %mul3A_254 : i32
      %add3A_256 = arith.addi %mul3A_2, %mul3A_255 : i32
      "tpu.region"() ({
        %run_scoped3A = tpu.sem_alloc : memref<!tpu.dma_semaphore, #tpu.memory_space<semaphore_mem>>
        %dma_start3A_262 = arith.constant 0 : i32
        %dma_start3A_263 = tpu.memref_slice %arg4[%add3A_256, %dma_start3A_262] : memref<819200x64xf32, #tpu.memory_space<hbm>> -> memref<640x64xf32, #tpu.memory_space<hbm>>
        %dma_start3A_264 = arith.constant 0 : i32
        %dma_start3A_265 = tpu.memref_slice %arg4[%add3A_256, %dma_start3A_264] : memref<819200x64xf32, #tpu.memory_space<hbm>> -> memref<640x64xf32, #tpu.memory_space<hbm>>
        tpu.enqueue_dma source(%arg7 : memref<640x64xf32, #tpu.memory_space<vmem>>) target(%dma_start3A_265 : memref<640x64xf32, #tpu.memory_space<hbm>>) target_semaphore(%run_scoped3A : memref<!tpu.dma_semaphore, #tpu.memory_space<semaphore_mem>>)
        %dma_wait3A_266 = arith.constant 0 : i32
        %dma_wait3A_267 = tpu.memref_slice %arg4[%add3A_256, %dma_wait3A_266] : memref<819200x64xf32, #tpu.memory_space<hbm>> -> memref<640x64xf32, #tpu.memory_space<hbm>>
        %dma_wait3A_268 = arith.constant 0 : i32
        %dma_wait3A_269 = tpu.memref_slice %arg4[%add3A_256, %dma_wait3A_268] : memref<819200x64xf32, #tpu.memory_space<hbm>> -> memref<640x64xf32, #tpu.memory_space<hbm>>
        tpu.wait_dma2 semaphore(%run_scoped3A : memref<!tpu.dma_semaphore, #tpu.memory_space<semaphore_mem>>) src(%arg7 : memref<640x64xf32, #tpu.memory_space<vmem>>) dst(%dma_wait3A_269 : memref<640x64xf32, #tpu.memory_space<hbm>>)
        tpu.yield
      }) : () -> ()
      %lt3A_257 = arith.constant 19 : i32
      %lt3A_258 = arith.cmpi slt, %scan3A_71, %lt3A_257 : i32
      %convert_element_type3A_259 = arith.extui %lt3A_258 : i1 to i32
      %cond3A_260 = arith.constant 0 : i32
      %cond3A_261 = arith.cmpi ne, %convert_element_type3A_259, %cond3A_260 : i32
      scf.if %cond3A_261 {
        %scan3A_262 = arith.constant 0 : i32
        %scan3A_263 = arith.constant 0 : i32
        %scan3A_264 = arith.constant 2560 : i32
        %scan3A_265 = arith.addi %scan3A_263, %scan3A_264 : i32
        %scan3A_266 = arith.constant 8 : i32
        scf.for %scan3A_268 = %scan3A_263 to %scan3A_265 step %scan3A_266  : i32 {
          %jit3A = arith.constant 4 : i32
          %div3A = arith.divsi %scan3A_268, %jit3A : i32
          %sign3A = arith.constant 0 : i32
          %sign3A_269 = arith.cmpi sgt, %scan3A_268, %sign3A : i32
          %sign3A_270 = arith.extui %sign3A_269 : i1 to i32
          %sign3A_271 = arith.constant 0 : i32
          %sign3A_272 = arith.cmpi slt, %scan3A_268, %sign3A_271 : i32
          %sign3A_273 = arith.extui %sign3A_272 : i1 to i32
          %sign3A_274 = arith.subi %sign3A_270, %sign3A_273 : i32
          %sign3A_275 = arith.constant 0 : i32
          %sign3A_276 = arith.cmpi sgt, %jit3A, %sign3A_275 : i32
          %sign3A_277 = arith.extui %sign3A_276 : i1 to i32
          %sign3A_278 = arith.constant 0 : i32
          %sign3A_279 = arith.cmpi slt, %jit3A, %sign3A_278 : i32
          %sign3A_280 = arith.extui %sign3A_279 : i1 to i32
          %sign3A_281 = arith.subi %sign3A_277, %sign3A_280 : i32
          %ne3A = arith.cmpi ne, %sign3A_274, %sign3A_281 : i32
          %rem3A = arith.remsi %scan3A_268, %jit3A : i32
          %ne3A_282 = arith.constant 0 : i32
          %ne3A_283 = arith.cmpi ne, %rem3A, %ne3A_282 : i32
          %and3A = arith.andi %ne3A, %ne3A_283 : i1
          %sub3A = arith.constant 1 : i32
          %sub3A_284 = arith.subi %div3A, %sub3A : i32
          %select_n3A = arith.select %and3A, %sub3A_284, %div3A : i32
          %jit3A_285 = arith.constant 4 : i32
          %eq3A = arith.constant 0 : i32
          %eq3A_286 = arith.cmpi eq, %jit3A_285, %eq3A : i32
          %jit3A_287 = arith.constant 1 : i32
          %select_n3A_288 = arith.select %eq3A_286, %jit3A_287, %jit3A_285 : i32
          %rem3A_289 = arith.remsi %scan3A_268, %select_n3A_288 : i32
          %ne3A_290 = arith.constant 0 : i32
          %ne3A_291 = arith.cmpi ne, %rem3A_289, %ne3A_290 : i32
          %lt3A_292 = arith.constant 0 : i32
          %lt3A_293 = arith.cmpi slt, %rem3A_289, %lt3A_292 : i32
          %lt3A_294 = arith.constant 0 : i32
          %lt3A_295 = arith.cmpi slt, %select_n3A_288, %lt3A_294 : i32
          %ne3A_296 = arith.xori %lt3A_293, %lt3A_295 : i1
          %and3A_297 = arith.andi %ne3A_296, %ne3A_291 : i1
          %add3A_298 = arith.addi %rem3A_289, %select_n3A_288 : i32
          %select_n3A_299 = arith.select %and3A_297, %add3A_298, %rem3A_289 : i32
          %mul3A_300 = arith.constant 16 : i32
          %mul3A_301 = arith.muli %select_n3A_299, %mul3A_300 : i32
          %swap3A = arith.index_cast %select_n3A : i32 to index
          %swap3A_302 = arith.index_cast %mul3A_301 : i32 to index
          %swap3A_303 = tpu.vector_load %arg7[%swap3A, %swap3A_302] {strides = array<i32>} : memref<640x64xf32, #tpu.memory_space<vmem>>, vector<1x16xf32>,
          %swap3A_304 = vector.shape_cast %swap3A_303 : vector<1x16xf32> to vector<16xf32>
          %swap3A_305 = vector.shape_cast %broadcast_in_dim3A_8 : vector<16xf32> to vector<1x16xf32>
          tpu.vector_store %arg7[%swap3A, %swap3A_302], %swap3A_305 {strides = array<i32>} : memref<640x64xf32, #tpu.memory_space<vmem>>, vector<1x16xf32>,
          %scan3A_306 = arith.constant 1 : i32
          %scan3A_307 = arith.addi %scan3A_268, %scan3A_306 : i32
          %jit3A_308 = arith.constant 4 : i32
          %div3A_309 = arith.divsi %scan3A_307, %jit3A_308 : i32
          %sign3A_310 = arith.constant 0 : i32
          %sign3A_311 = arith.cmpi sgt, %scan3A_307, %sign3A_310 : i32
          %sign3A_312 = arith.extui %sign3A_311 : i1 to i32
          %sign3A_313 = arith.constant 0 : i32
          %sign3A_314 = arith.cmpi slt, %scan3A_307, %sign3A_313 : i32
          %sign3A_315 = arith.extui %sign3A_314 : i1 to i32
          %sign3A_316 = arith.subi %sign3A_312, %sign3A_315 : i32
          %sign3A_317 = arith.constant 0 : i32
          %sign3A_318 = arith.cmpi sgt, %jit3A_308, %sign3A_317 : i32
          %sign3A_319 = arith.extui %sign3A_318 : i1 to i32
          %sign3A_320 = arith.constant 0 : i32
          %sign3A_321 = arith.cmpi slt, %jit3A_308, %sign3A_320 : i32
          %sign3A_322 = arith.extui %sign3A_321 : i1 to i32
          %sign3A_323 = arith.subi %sign3A_319, %sign3A_322 : i32
          %ne3A_324 = arith.cmpi ne, %sign3A_316, %sign3A_323 : i32
          %rem3A_325 = arith.remsi %scan3A_307, %jit3A_308 : i32
          %ne3A_326 = arith.constant 0 : i32
          %ne3A_327 = arith.cmpi ne, %rem3A_325, %ne3A_326 : i32
          %and3A_328 = arith.andi %ne3A_324, %ne3A_327 : i1
          %sub3A_329 = arith.constant 1 : i32
          %sub3A_330 = arith.subi %div3A_309, %sub3A_329 : i32
          %select_n3A_331 = arith.select %and3A_328, %sub3A_330, %div3A_309 : i32
          %jit3A_332 = arith.constant 4 : i32
          %eq3A_333 = arith.constant 0 : i32
          %eq3A_334 = arith.cmpi eq, %jit3A_332, %eq3A_333 : i32
          %jit3A_335 = arith.constant 1 : i32
          %select_n3A_336 = arith.select %eq3A_334, %jit3A_335, %jit3A_332 : i32
          %rem3A_337 = arith.remsi %scan3A_307, %select_n3A_336 : i32
          %ne3A_338 = arith.constant 0 : i32
          %ne3A_339 = arith.cmpi ne, %rem3A_337, %ne3A_338 : i32
          %lt3A_340 = arith.constant 0 : i32
          %lt3A_341 = arith.cmpi slt, %rem3A_337, %lt3A_340 : i32
          %lt3A_342 = arith.constant 0 : i32
          %lt3A_343 = arith.cmpi slt, %select_n3A_336, %lt3A_342 : i32
          %ne3A_344 = arith.xori %lt3A_341, %lt3A_343 : i1
          %and3A_345 = arith.andi %ne3A_344, %ne3A_339 : i1
          %add3A_346 = arith.addi %rem3A_337, %select_n3A_336 : i32
          %select_n3A_347 = arith.select %and3A_345, %add3A_346, %rem3A_337 : i32
          %mul3A_348 = arith.constant 16 : i32
          %mul3A_349 = arith.muli %select_n3A_347, %mul3A_348 : i32
          %swap3A_350 = arith.index_cast %select_n3A_331 : i32 to index
          %swap3A_351 = arith.index_cast %mul3A_349 : i32 to index
          %swap3A_352 = tpu.vector_load %arg7[%swap3A_350, %swap3A_351] {strides = array<i32>} : memref<640x64xf32, #tpu.memory_space<vmem>>, vector<1x16xf32>,
          %swap3A_353 = vector.shape_cast %swap3A_352 : vector<1x16xf32> to vector<16xf32>
          %swap3A_354 = vector.shape_cast %broadcast_in_dim3A_8 : vector<16xf32> to vector<1x16xf32>
          tpu.vector_store %arg7[%swap3A_350, %swap3A_351], %swap3A_354 {strides = array<i32>} : memref<640x64xf32, #tpu.memory_space<vmem>>, vector<1x16xf32>,
          %scan3A_355 = arith.constant 2 : i32
          %scan3A_356 = arith.addi %scan3A_268, %scan3A_355 : i32
          %jit3A_357 = arith.constant 4 : i32
          %div3A_358 = arith.divsi %scan3A_356, %jit3A_357 : i32
          %sign3A_359 = arith.constant 0 : i32
          %sign3A_360 = arith.cmpi sgt, %scan3A_356, %sign3A_359 : i32
          %sign3A_361 = arith.extui %sign3A_360 : i1 to i32
          %sign3A_362 = arith.constant 0 : i32
          %sign3A_363 = arith.cmpi slt, %scan3A_356, %sign3A_362 : i32
          %sign3A_364 = arith.extui %sign3A_363 : i1 to i32
          %sign3A_365 = arith.subi %sign3A_361, %sign3A_364 : i32
          %sign3A_366 = arith.constant 0 : i32
          %sign3A_367 = arith.cmpi sgt, %jit3A_357, %sign3A_366 : i32
          %sign3A_368 = arith.extui %sign3A_367 : i1 to i32
          %sign3A_369 = arith.constant 0 : i32
          %sign3A_370 = arith.cmpi slt, %jit3A_357, %sign3A_369 : i32
          %sign3A_371 = arith.extui %sign3A_370 : i1 to i32
          %sign3A_372 = arith.subi %sign3A_368, %sign3A_371 : i32
          %ne3A_373 = arith.cmpi ne, %sign3A_365, %sign3A_372 : i32
          %rem3A_374 = arith.remsi %scan3A_356, %jit3A_357 : i32
          %ne3A_375 = arith.constant 0 : i32
          %ne3A_376 = arith.cmpi ne, %rem3A_374, %ne3A_375 : i32
          %and3A_377 = arith.andi %ne3A_373, %ne3A_376 : i1
          %sub3A_378 = arith.constant 1 : i32
          %sub3A_379 = arith.subi %div3A_358, %sub3A_378 : i32
          %select_n3A_380 = arith.select %and3A_377, %sub3A_379, %div3A_358 : i32
          %jit3A_381 = arith.constant 4 : i32
          %eq3A_382 = arith.constant 0 : i32
          %eq3A_383 = arith.cmpi eq, %jit3A_381, %eq3A_382 : i32
          %jit3A_384 = arith.constant 1 : i32
          %select_n3A_385 = arith.select %eq3A_383, %jit3A_384, %jit3A_381 : i32
          %rem3A_386 = arith.remsi %scan3A_356, %select_n3A_385 : i32
          %ne3A_387 = arith.constant 0 : i32
          %ne3A_388 = arith.cmpi ne, %rem3A_386, %ne3A_387 : i32
          %lt3A_389 = arith.constant 0 : i32
          %lt3A_390 = arith.cmpi slt, %rem3A_386, %lt3A_389 : i32
          %lt3A_391 = arith.constant 0 : i32
          %lt3A_392 = arith.cmpi slt, %select_n3A_385, %lt3A_391 : i32
          %ne3A_393 = arith.xori %lt3A_390, %lt3A_392 : i1
          %and3A_394 = arith.andi %ne3A_393, %ne3A_388 : i1
          %add3A_395 = arith.addi %rem3A_386, %select_n3A_385 : i32
          %select_n3A_396 = arith.select %and3A_394, %add3A_395, %rem3A_386 : i32
          %mul3A_397 = arith.constant 16 : i32
          %mul3A_398 = arith.muli %select_n3A_396, %mul3A_397 : i32
          %swap3A_399 = arith.index_cast %select_n3A_380 : i32 to index
          %swap3A_400 = arith.index_cast %mul3A_398 : i32 to index
          %swap3A_401 = tpu.vector_load %arg7[%swap3A_399, %swap3A_400] {strides = array<i32>} : memref<640x64xf32, #tpu.memory_space<vmem>>, vector<1x16xf32>,
          %swap3A_402 = vector.shape_cast %swap3A_401 : vector<1x16xf32> to vector<16xf32>
          %swap3A_403 = vector.shape_cast %broadcast_in_dim3A_8 : vector<16xf32> to vector<1x16xf32>
          tpu.vector_store %arg7[%swap3A_399, %swap3A_400], %swap3A_403 {strides = array<i32>} : memref<640x64xf32, #tpu.memory_space<vmem>>, vector<1x16xf32>,
          %scan3A_404 = arith.constant 3 : i32
          %scan3A_405 = arith.addi %scan3A_268, %scan3A_404 : i32
          %jit3A_406 = arith.constant 4 : i32
          %div3A_407 = arith.divsi %scan3A_405, %jit3A_406 : i32
          %sign3A_408 = arith.constant 0 : i32
          %sign3A_409 = arith.cmpi sgt, %scan3A_405, %sign3A_408 : i32
          %sign3A_410 = arith.extui %sign3A_409 : i1 to i32
          %sign3A_411 = arith.constant 0 : i32
          %sign3A_412 = arith.cmpi slt, %scan3A_405, %sign3A_411 : i32
          %sign3A_413 = arith.extui %sign3A_412 : i1 to i32
          %sign3A_414 = arith.subi %sign3A_410, %sign3A_413 : i32
          %sign3A_415 = arith.constant 0 : i32
          %sign3A_416 = arith.cmpi sgt, %jit3A_406, %sign3A_415 : i32
          %sign3A_417 = arith.extui %sign3A_416 : i1 to i32
          %sign3A_418 = arith.constant 0 : i32
          %sign3A_419 = arith.cmpi slt, %jit3A_406, %sign3A_418 : i32
          %sign3A_420 = arith.extui %sign3A_419 : i1 to i32
          %sign3A_421 = arith.subi %sign3A_417, %sign3A_420 : i32
          %ne3A_422 = arith.cmpi ne, %sign3A_414, %sign3A_421 : i32
          %rem3A_423 = arith.remsi %scan3A_405, %jit3A_406 : i32
          %ne3A_424 = arith.constant 0 : i32
          %ne3A_425 = arith.cmpi ne, %rem3A_423, %ne3A_424 : i32
          %and3A_426 = arith.andi %ne3A_422, %ne3A_425 : i1
          %sub3A_427 = arith.constant 1 : i32
          %sub3A_428 = arith.subi %div3A_407, %sub3A_427 : i32
          %select_n3A_429 = arith.select %and3A_426, %sub3A_428, %div3A_407 : i32
          %jit3A_430 = arith.constant 4 : i32
          %eq3A_431 = arith.constant 0 : i32
          %eq3A_432 = arith.cmpi eq, %jit3A_430, %eq3A_431 : i32
          %jit3A_433 = arith.constant 1 : i32
          %select_n3A_434 = arith.select %eq3A_432, %jit3A_433, %jit3A_430 : i32
          %rem3A_435 = arith.remsi %scan3A_405, %select_n3A_434 : i32
          %ne3A_436 = arith.constant 0 : i32
          %ne3A_437 = arith.cmpi ne, %rem3A_435, %ne3A_436 : i32
          %lt3A_438 = arith.constant 0 : i32
          %lt3A_439 = arith.cmpi slt, %rem3A_435, %lt3A_438 : i32
          %lt3A_440 = arith.constant 0 : i32
          %lt3A_441 = arith.cmpi slt, %select_n3A_434, %lt3A_440 : i32
          %ne3A_442 = arith.xori %lt3A_439, %lt3A_441 : i1
          %and3A_443 = arith.andi %ne3A_442, %ne3A_437 : i1
          %add3A_444 = arith.addi %rem3A_435, %select_n3A_434 : i32
          %select_n3A_445 = arith.select %and3A_443, %add3A_444, %rem3A_435 : i32
          %mul3A_446 = arith.constant 16 : i32
          %mul3A_447 = arith.muli %select_n3A_445, %mul3A_446 : i32
          %swap3A_448 = arith.index_cast %select_n3A_429 : i32 to index
          %swap3A_449 = arith.index_cast %mul3A_447 : i32 to index
          %swap3A_450 = tpu.vector_load %arg7[%swap3A_448, %swap3A_449] {strides = array<i32>} : memref<640x64xf32, #tpu.memory_space<vmem>>, vector<1x16xf32>,
          %swap3A_451 = vector.shape_cast %swap3A_450 : vector<1x16xf32> to vector<16xf32>
          %swap3A_452 = vector.shape_cast %broadcast_in_dim3A_8 : vector<16xf32> to vector<1x16xf32>
          tpu.vector_store %arg7[%swap3A_448, %swap3A_449], %swap3A_452 {strides = array<i32>} : memref<640x64xf32, #tpu.memory_space<vmem>>, vector<1x16xf32>,
          %scan3A_453 = arith.constant 4 : i32
          %scan3A_454 = arith.addi %scan3A_268, %scan3A_453 : i32
          %jit3A_455 = arith.constant 4 : i32
          %div3A_456 = arith.divsi %scan3A_454, %jit3A_455 : i32
          %sign3A_457 = arith.constant 0 : i32
          %sign3A_458 = arith.cmpi sgt, %scan3A_454, %sign3A_457 : i32
          %sign3A_459 = arith.extui %sign3A_458 : i1 to i32
          %sign3A_460 = arith.constant 0 : i32
          %sign3A_461 = arith.cmpi slt, %scan3A_454, %sign3A_460 : i32
          %sign3A_462 = arith.extui %sign3A_461 : i1 to i32
          %sign3A_463 = arith.subi %sign3A_459, %sign3A_462 : i32
          %sign3A_464 = arith.constant 0 : i32
          %sign3A_465 = arith.cmpi sgt, %jit3A_455, %sign3A_464 : i32
          %sign3A_466 = arith.extui %sign3A_465 : i1 to i32
          %sign3A_467 = arith.constant 0 : i32
          %sign3A_468 = arith.cmpi slt, %jit3A_455, %sign3A_467 : i32
          %sign3A_469 = arith.extui %sign3A_468 : i1 to i32
          %sign3A_470 = arith.subi %sign3A_466, %sign3A_469 : i32
          %ne3A_471 = arith.cmpi ne, %sign3A_463, %sign3A_470 : i32
          %rem3A_472 = arith.remsi %scan3A_454, %jit3A_455 : i32
          %ne3A_473 = arith.constant 0 : i32
          %ne3A_474 = arith.cmpi ne, %rem3A_472, %ne3A_473 : i32
          %and3A_475 = arith.andi %ne3A_471, %ne3A_474 : i1
          %sub3A_476 = arith.constant 1 : i32
          %sub3A_477 = arith.subi %div3A_456, %sub3A_476 : i32
          %select_n3A_478 = arith.select %and3A_475, %sub3A_477, %div3A_456 : i32
          %jit3A_479 = arith.constant 4 : i32
          %eq3A_480 = arith.constant 0 : i32
          %eq3A_481 = arith.cmpi eq, %jit3A_479, %eq3A_480 : i32
          %jit3A_482 = arith.constant 1 : i32
          %select_n3A_483 = arith.select %eq3A_481, %jit3A_482, %jit3A_479 : i32
          %rem3A_484 = arith.remsi %scan3A_454, %select_n3A_483 : i32
          %ne3A_485 = arith.constant 0 : i32
          %ne3A_486 = arith.cmpi ne, %rem3A_484, %ne3A_485 : i32
          %lt3A_487 = arith.constant 0 : i32
          %lt3A_488 = arith.cmpi slt, %rem3A_484, %lt3A_487 : i32
          %lt3A_489 = arith.constant 0 : i32
          %lt3A_490 = arith.cmpi slt, %select_n3A_483, %lt3A_489 : i32
          %ne3A_491 = arith.xori %lt3A_488, %lt3A_490 : i1
          %and3A_492 = arith.andi %ne3A_491, %ne3A_486 : i1
          %add3A_493 = arith.addi %rem3A_484, %select_n3A_483 : i32
          %select_n3A_494 = arith.select %and3A_492, %add3A_493, %rem3A_484 : i32
          %mul3A_495 = arith.constant 16 : i32
          %mul3A_496 = arith.muli %select_n3A_494, %mul3A_495 : i32
          %swap3A_497 = arith.index_cast %select_n3A_478 : i32 to index
          %swap3A_498 = arith.index_cast %mul3A_496 : i32 to index
          %swap3A_499 = tpu.vector_load %arg7[%swap3A_497, %swap3A_498] {strides = array<i32>} : memref<640x64xf32, #tpu.memory_space<vmem>>, vector<1x16xf32>,
          %swap3A_500 = vector.shape_cast %swap3A_499 : vector<1x16xf32> to vector<16xf32>
          %swap3A_501 = vector.shape_cast %broadcast_in_dim3A_8 : vector<16xf32> to vector<1x16xf32>
          tpu.vector_store %arg7[%swap3A_497, %swap3A_498], %swap3A_501 {strides = array<i32>} : memref<640x64xf32, #tpu.memory_space<vmem>>, vector<1x16xf32>,
          %scan3A_502 = arith.constant 5 : i32
          %scan3A_503 = arith.addi %scan3A_268, %scan3A_502 : i32
          %jit3A_504 = arith.constant 4 : i32
          %div3A_505 = arith.divsi %scan3A_503, %jit3A_504 : i32
          %sign3A_506 = arith.constant 0 : i32
          %sign3A_507 = arith.cmpi sgt, %scan3A_503, %sign3A_506 : i32
          %sign3A_508 = arith.extui %sign3A_507 : i1 to i32
          %sign3A_509 = arith.constant 0 : i32
          %sign3A_510 = arith.cmpi slt, %scan3A_503, %sign3A_509 : i32
          %sign3A_511 = arith.extui %sign3A_510 : i1 to i32
          %sign3A_512 = arith.subi %sign3A_508, %sign3A_511 : i32
          %sign3A_513 = arith.constant 0 : i32
          %sign3A_514 = arith.cmpi sgt, %jit3A_504, %sign3A_513 : i32
          %sign3A_515 = arith.extui %sign3A_514 : i1 to i32
          %sign3A_516 = arith.constant 0 : i32
          %sign3A_517 = arith.cmpi slt, %jit3A_504, %sign3A_516 : i32
          %sign3A_518 = arith.extui %sign3A_517 : i1 to i32
          %sign3A_519 = arith.subi %sign3A_515, %sign3A_518 : i32
          %ne3A_520 = arith.cmpi ne, %sign3A_512, %sign3A_519 : i32
          %rem3A_521 = arith.remsi %scan3A_503, %jit3A_504 : i32
          %ne3A_522 = arith.constant 0 : i32
          %ne3A_523 = arith.cmpi ne, %rem3A_521, %ne3A_522 : i32
          %and3A_524 = arith.andi %ne3A_520, %ne3A_523 : i1
          %sub3A_525 = arith.constant 1 : i32
          %sub3A_526 = arith.subi %div3A_505, %sub3A_525 : i32
          %select_n3A_527 = arith.select %and3A_524, %sub3A_526, %div3A_505 : i32
          %jit3A_528 = arith.constant 4 : i32
          %eq3A_529 = arith.constant 0 : i32
          %eq3A_530 = arith.cmpi eq, %jit3A_528, %eq3A_529 : i32
          %jit3A_531 = arith.constant 1 : i32
          %select_n3A_532 = arith.select %eq3A_530, %jit3A_531, %jit3A_528 : i32
          %rem3A_533 = arith.remsi %scan3A_503, %select_n3A_532 : i32
          %ne3A_534 = arith.constant 0 : i32
          %ne3A_535 = arith.cmpi ne, %rem3A_533, %ne3A_534 : i32
          %lt3A_536 = arith.constant 0 : i32
          %lt3A_537 = arith.cmpi slt, %rem3A_533, %lt3A_536 : i32
          %lt3A_538 = arith.constant 0 : i32
          %lt3A_539 = arith.cmpi slt, %select_n3A_532, %lt3A_538 : i32
          %ne3A_540 = arith.xori %lt3A_537, %lt3A_539 : i1
          %and3A_541 = arith.andi %ne3A_540, %ne3A_535 : i1
          %add3A_542 = arith.addi %rem3A_533, %select_n3A_532 : i32
          %select_n3A_543 = arith.select %and3A_541, %add3A_542, %rem3A_533 : i32
          %mul3A_544 = arith.constant 16 : i32
          %mul3A_545 = arith.muli %select_n3A_543, %mul3A_544 : i32
          %swap3A_546 = arith.index_cast %select_n3A_527 : i32 to index
          %swap3A_547 = arith.index_cast %mul3A_545 : i32 to index
          %swap3A_548 = tpu.vector_load %arg7[%swap3A_546, %swap3A_547] {strides = array<i32>} : memref<640x64xf32, #tpu.memory_space<vmem>>, vector<1x16xf32>,
          %swap3A_549 = vector.shape_cast %swap3A_548 : vector<1x16xf32> to vector<16xf32>
          %swap3A_550 = vector.shape_cast %broadcast_in_dim3A_8 : vector<16xf32> to vector<1x16xf32>
          tpu.vector_store %arg7[%swap3A_546, %swap3A_547], %swap3A_550 {strides = array<i32>} : memref<640x64xf32, #tpu.memory_space<vmem>>, vector<1x16xf32>,
          %scan3A_551 = arith.constant 6 : i32
          %scan3A_552 = arith.addi %scan3A_268, %scan3A_551 : i32
          %jit3A_553 = arith.constant 4 : i32
          %div3A_554 = arith.divsi %scan3A_552, %jit3A_553 : i32
          %sign3A_555 = arith.constant 0 : i32
          %sign3A_556 = arith.cmpi sgt, %scan3A_552, %sign3A_555 : i32
          %sign3A_557 = arith.extui %sign3A_556 : i1 to i32
          %sign3A_558 = arith.constant 0 : i32
          %sign3A_559 = arith.cmpi slt, %scan3A_552, %sign3A_558 : i32
          %sign3A_560 = arith.extui %sign3A_559 : i1 to i32
          %sign3A_561 = arith.subi %sign3A_557, %sign3A_560 : i32
          %sign3A_562 = arith.constant 0 : i32
          %sign3A_563 = arith.cmpi sgt, %jit3A_553, %sign3A_562 : i32
          %sign3A_564 = arith.extui %sign3A_563 : i1 to i32
          %sign3A_565 = arith.constant 0 : i32
          %sign3A_566 = arith.cmpi slt, %jit3A_553, %sign3A_565 : i32
          %sign3A_567 = arith.extui %sign3A_566 : i1 to i32
          %sign3A_568 = arith.subi %sign3A_564, %sign3A_567 : i32
          %ne3A_569 = arith.cmpi ne, %sign3A_561, %sign3A_568 : i32
          %rem3A_570 = arith.remsi %scan3A_552, %jit3A_553 : i32
          %ne3A_571 = arith.constant 0 : i32
          %ne3A_572 = arith.cmpi ne, %rem3A_570, %ne3A_571 : i32
          %and3A_573 = arith.andi %ne3A_569, %ne3A_572 : i1
          %sub3A_574 = arith.constant 1 : i32
          %sub3A_575 = arith.subi %div3A_554, %sub3A_574 : i32
          %select_n3A_576 = arith.select %and3A_573, %sub3A_575, %div3A_554 : i32
          %jit3A_577 = arith.constant 4 : i32
          %eq3A_578 = arith.constant 0 : i32
          %eq3A_579 = arith.cmpi eq, %jit3A_577, %eq3A_578 : i32
          %jit3A_580 = arith.constant 1 : i32
          %select_n3A_581 = arith.select %eq3A_579, %jit3A_580, %jit3A_577 : i32
          %rem3A_582 = arith.remsi %scan3A_552, %select_n3A_581 : i32
          %ne3A_583 = arith.constant 0 : i32
          %ne3A_584 = arith.cmpi ne, %rem3A_582, %ne3A_583 : i32
          %lt3A_585 = arith.constant 0 : i32
          %lt3A_586 = arith.cmpi slt, %rem3A_582, %lt3A_585 : i32
          %lt3A_587 = arith.constant 0 : i32
          %lt3A_588 = arith.cmpi slt, %select_n3A_581, %lt3A_587 : i32
          %ne3A_589 = arith.xori %lt3A_586, %lt3A_588 : i1
          %and3A_590 = arith.andi %ne3A_589, %ne3A_584 : i1
          %add3A_591 = arith.addi %rem3A_582, %select_n3A_581 : i32
          %select_n3A_592 = arith.select %and3A_590, %add3A_591, %rem3A_582 : i32
          %mul3A_593 = arith.constant 16 : i32
          %mul3A_594 = arith.muli %select_n3A_592, %mul3A_593 : i32
          %swap3A_595 = arith.index_cast %select_n3A_576 : i32 to index
          %swap3A_596 = arith.index_cast %mul3A_594 : i32 to index
          %swap3A_597 = tpu.vector_load %arg7[%swap3A_595, %swap3A_596] {strides = array<i32>} : memref<640x64xf32, #tpu.memory_space<vmem>>, vector<1x16xf32>,
          %swap3A_598 = vector.shape_cast %swap3A_597 : vector<1x16xf32> to vector<16xf32>
          %swap3A_599 = vector.shape_cast %broadcast_in_dim3A_8 : vector<16xf32> to vector<1x16xf32>
          tpu.vector_store %arg7[%swap3A_595, %swap3A_596], %swap3A_599 {strides = array<i32>} : memref<640x64xf32, #tpu.memory_space<vmem>>, vector<1x16xf32>,
          %scan3A_600 = arith.constant 7 : i32
          %scan3A_601 = arith.addi %scan3A_268, %scan3A_600 : i32
          %jit3A_602 = arith.constant 4 : i32
          %div3A_603 = arith.divsi %scan3A_601, %jit3A_602 : i32
          %sign3A_604 = arith.constant 0 : i32
          %sign3A_605 = arith.cmpi sgt, %scan3A_601, %sign3A_604 : i32
          %sign3A_606 = arith.extui %sign3A_605 : i1 to i32
          %sign3A_607 = arith.constant 0 : i32
          %sign3A_608 = arith.cmpi slt, %scan3A_601, %sign3A_607 : i32
          %sign3A_609 = arith.extui %sign3A_608 : i1 to i32
          %sign3A_610 = arith.subi %sign3A_606, %sign3A_609 : i32
          %sign3A_611 = arith.constant 0 : i32
          %sign3A_612 = arith.cmpi sgt, %jit3A_602, %sign3A_611 : i32
          %sign3A_613 = arith.extui %sign3A_612 : i1 to i32
          %sign3A_614 = arith.constant 0 : i32
          %sign3A_615 = arith.cmpi slt, %jit3A_602, %sign3A_614 : i32
          %sign3A_616 = arith.extui %sign3A_615 : i1 to i32
          %sign3A_617 = arith.subi %sign3A_613, %sign3A_616 : i32
          %ne3A_618 = arith.cmpi ne, %sign3A_610, %sign3A_617 : i32
          %rem3A_619 = arith.remsi %scan3A_601, %jit3A_602 : i32
          %ne3A_620 = arith.constant 0 : i32
          %ne3A_621 = arith.cmpi ne, %rem3A_619, %ne3A_620 : i32
          %and3A_622 = arith.andi %ne3A_618, %ne3A_621 : i1
          %sub3A_623 = arith.constant 1 : i32
          %sub3A_624 = arith.subi %div3A_603, %sub3A_623 : i32
          %select_n3A_625 = arith.select %and3A_622, %sub3A_624, %div3A_603 : i32
          %jit3A_626 = arith.constant 4 : i32
          %eq3A_627 = arith.constant 0 : i32
          %eq3A_628 = arith.cmpi eq, %jit3A_626, %eq3A_627 : i32
          %jit3A_629 = arith.constant 1 : i32
          %select_n3A_630 = arith.select %eq3A_628, %jit3A_629, %jit3A_626 : i32
          %rem3A_631 = arith.remsi %scan3A_601, %select_n3A_630 : i32
          %ne3A_632 = arith.constant 0 : i32
          %ne3A_633 = arith.cmpi ne, %rem3A_631, %ne3A_632 : i32
          %lt3A_634 = arith.constant 0 : i32
          %lt3A_635 = arith.cmpi slt, %rem3A_631, %lt3A_634 : i32
          %lt3A_636 = arith.constant 0 : i32
          %lt3A_637 = arith.cmpi slt, %select_n3A_630, %lt3A_636 : i32
          %ne3A_638 = arith.xori %lt3A_635, %lt3A_637 : i1
          %and3A_639 = arith.andi %ne3A_638, %ne3A_633 : i1
          %add3A_640 = arith.addi %rem3A_631, %select_n3A_630 : i32
          %select_n3A_641 = arith.select %and3A_639, %add3A_640, %rem3A_631 : i32
          %mul3A_642 = arith.constant 16 : i32
          %mul3A_643 = arith.muli %select_n3A_641, %mul3A_642 : i32
          %swap3A_644 = arith.index_cast %select_n3A_625 : i32 to index
          %swap3A_645 = arith.index_cast %mul3A_643 : i32 to index
          %swap3A_646 = tpu.vector_load %arg7[%swap3A_644, %swap3A_645] {strides = array<i32>} : memref<640x64xf32, #tpu.memory_space<vmem>>, vector<1x16xf32>,
          %swap3A_647 = vector.shape_cast %swap3A_646 : vector<1x16xf32> to vector<16xf32>
          %swap3A_648 = vector.shape_cast %broadcast_in_dim3A_8 : vector<16xf32> to vector<1x16xf32>
          tpu.vector_store %arg7[%swap3A_644, %swap3A_645], %swap3A_648 {strides = array<i32>} : memref<640x64xf32, #tpu.memory_space<vmem>>, vector<1x16xf32>,
        }
        %scan3A_267 = arith.constant 2560 : i32
      } else {
      }
    }
    %scan3A_70 = arith.constant 20 : i32
    return
  }
}

</mosaic_0001>

<sc_bundles>
// kernel: kernel.3.cloned.1.call-start
scs
__scs_entry_jumppad:
0x0: {  	(pc) =	sbr.rel $0x88, $3  }
0x1: {  	(tag) =	ssettag $0x0;
	lr =	simm.s32 $0x1  }
0x2: {  	[smem:$0x3F9F] =	sst lr;
	_ =	strace $0xD0000000  }
0x3: {  	_ = 	snop  }
0x4: {  	_ = 	snop  }
0x5: {  	_ = 	snop  }
0x6: {  	_ = 	snop  }
0x7: {  	_ = 	snop  }
__scs_overlays_trampoline_lowered:
0x8: {  	[smem:$0x3FAE] =	sst s0  }
0x9: {  	[smem:$0x3FAF] =	sst s1  }
0xa: {  	[smem:$0x3FB0] =	sst s2  }
0xb: {  	[smem:$0x3FB1] =	sst s3  }
0xc: {  	[smem:$0x3FB2] =	sst s4  }
0xd: {  	[smem:$0x3FB3] =	sst s5  }
0xe: {  	[smem:$0x3FB4] =	sst s6  }
0xf: {  	[smem:$0x3FB5] =	sst s7  }
0x10: {  	[smem:$0x3FB6] =	sst s8  }
0x11: {  	[smem:$0x3FB7] =	sst s9;
	s0 =	simm.s32 @!p0 $0x0  }
0x12: {  	s1 =	sld [smem:$0x3F9D];
	s0 =	simm.s32 @p0 $0x1  }
0x13: {  	[smem:$0x3FB8] =	sst s0;
	s0 =	simm.s32 @!p1 $0x0  }
0x14: {  	s2 =	sld [smem:$0x3F9C];
	s0 =	simm.s32 @p1 $0x1  }
0x15: {  	[smem:$0x3FB9] =	sst s0;
	s0 =	simm.s32 @!p2 $0x0  }
0x16: {  	s3 =	sld [smem:$0x3FDB];
	s0 =	simm.s32 @p2 $0x1  }
0x17: {  	s4 =	simm.s32 $0x1BF5;
	[smem:$0x3FBB] =	sst s0  }
0x18: {  	s0 =	sld [smem:$0x3F9E];
	_ =	swait.ge [sflag:s4], $0x0  }
0x19: {  	s7 =	sld [smem:$0x3F9F]  }
0x1a: {  	s8 =	sadd.s32 $0xFFFFE003, lr  }
0x1b: {  	s9 =	sadd.s32 $0xFFFFFEF7, lr;
	s5 =	simm.s32 $0xFFFFFFFF;
	p2 =	slt.u32 s8, $0xFFFFF086  }
0x1c: {  	p1 =	slt.u32 s9, $0xF7A;
	s5 =	simm.s32 @!p2 $0x0  }
0x1d: {  	s5 =	simm.s32 @p1 $0x1;
	p0 =	seq.s32 s7, s2  }
0x1e: {  	s7 =	smul.u32 @!p0 $0xF7A, s2;
	p2 =	seq.s32 @!p0 s5, $0x0  }
0x1f: {  	s9 =	smul.u32 $0xF7A, s1;
	s8 =	simm.s32 @!p0 $0x1BF5;
	p2 =	por !p2, p0  }
0x20: {  	[sflag:s8] =	ssyncset.s32 @!p0 $0xFFFFF086;
	s6 =	sadd.s32 @!p0 s3, s7;
	s7 =	simm.s32 @!p0 $0x108  }
0x21: {  	s3 =	sadd.s32 s3, s9;
	s6 =	sadd.s32 @!p0 $0x88, s6;
	s7 =	simm.s32 @p2 $0x1082  }
0x22: {  	[simem:s7], [sflag:s8] =	dma.local @!p0 [hbm:s6], $0xF7A  }
0x23: {  	s9 =	sor.u32 $0xD0000000, s2;
	s6 =	simm.s32 $0x108;
	_ =	swait.ge @!p0 [sflag:s8], $0x0  }
0x24: {  	s3 =	sadd.s32 $0x88, s3;
	s6 =	simm.s32 @!p1 $0x1082;
	[sflag:s4] =	ssyncset.s32 $0xFFFFF086  }
0x25: {  	[simem:s6], [sflag:s4] =	dma.local [hbm:s3], $0xF7A  }
0x26: {  	[smem:$0x3F9F] =	sst s1;
	(tag) =	ssettag s2;
	_ =	strace s9  }
0x27: {  	s1 =	sld [smem:$0x3FAF]  }
0x28: {  	s2 =	sld [smem:$0x3FB0]  }
0x29: {  	s4 =	sld [smem:$0x3FB2]  }
0x2a: {  	p0 =	seq.s32 s5, $0x0;
	s5 =	sld [smem:$0x3FB3]  }
0x2b: {  	s6 =	sld [smem:$0x3FB4]  }
0x2c: {  	s7 =	sld [smem:$0x3FB5]  }
0x2d: {  	s3 =	simm.s32 $0x108;
	s8 =	sld [smem:$0x3FB6]  }
0x2e: {  	s3 =	simm.s32 @!p0 $0x1082;
	s9 =	sld [smem:$0x3FB7]  }
0x2f: {  	lr =	sadd.s32 s0, s3;
	s0 =	sld [smem:$0x3FAE]  }
0x30: {  	s3 =	sld [smem:$0x3FB1]  }
0x31: {  	[smem:$0x3FBA] =	sst s10  }
0x32: {  	s10 =	sld [smem:$0x3FB8];
	_ =	sdelay $0x3  }
0x33: {  	p0 =	seq.s32 s10, $0x1;
	s10 =	sld [smem:$0x3FBA];
	_ =	sdelay $0x3  }
0x34: {  	[smem:$0x3FBA] =	sst s10  }
0x35: {  	s10 =	sld [smem:$0x3FB9];
	_ =	sdelay $0x3  }
0x36: {  	p1 =	seq.s32 s10, $0x1;
	s10 =	sld [smem:$0x3FBA];
	_ =	sdelay $0x3  }
0x37: {  	[smem:$0x3FBA] =	sst s10  }
0x38: {  	s10 =	sld [smem:$0x3FBB]  }
0x39: {  	_ = 	snop;
	(pc) =	sbr.ind lr, $3  }
0x3a: {  	_ = 	snop  }
0x3b: {  	_ = 	snop  }
0x3c: {  	p2 =	seq.s32 s10, $0x1;
	s10 =	sld [smem:$0x3FBA]  }
0x3d: {  	_ =	shalt  }
0x3e: {  	_ =	shalt  }
0x3f: {  	_ =	shalt  }
0x40: {  	_ =	shalt  }
0x41: {  	_ =	shalt  }
0x42: {  	_ =	shalt  }
0x43: {  	_ =	shalt  }
0x44: {  	_ =	shalt  }
0x45: {  	_ =	shalt  }
0x46: {  	_ =	shalt  }
0x47: {  	_ =	shalt  }
0x48: {  	_ =	shalt  }
0x49: {  	_ =	shalt  }
0x4a: {  	_ =	shalt  }
0x4b: {  	_ =	shalt  }
0x4c: {  	_ =	shalt  }
0x4d: {  	_ =	shalt  }
0x4e: {  	_ =	shalt  }
0x4f: {  	_ =	shalt  }
0x50: {  	_ =	shalt  }
0x51: {  	_ =	shalt  }
0x52: {  	_ =	shalt  }
0x53: {  	_ =	shalt  }
0x54: {  	_ =	shalt  }
0x55: {  	_ =	shalt  }
0x56: {  	_ =	shalt  }
0x57: {  	_ =	shalt  }
0x58: {  	_ =	shalt  }
0x59: {  	_ =	shalt  }
0x5a: {  	_ =	shalt  }
0x5b: {  	_ =	shalt  }
0x5c: {  	_ =	shalt  }
0x5d: {  	_ =	shalt  }
0x5e: {  	_ =	shalt  }
0x5f: {  	_ =	shalt  }
0x60: {  	_ =	shalt  }
0x61: {  	_ =	shalt  }
0x62: {  	_ =	shalt  }
0x63: {  	_ =	shalt  }
0x64: {  	_ =	shalt  }
0x65: {  	_ =	shalt  }
0x66: {  	_ =	shalt  }
0x67: {  	_ =	shalt  }
0x68: {  	_ =	shalt  }
0x69: {  	_ =	shalt  }
0x6a: {  	_ =	shalt  }
0x6b: {  	_ =	shalt  }
0x6c: {  	_ =	shalt  }
0x6d: {  	_ =	shalt  }
0x6e: {  	_ =	shalt  }
0x6f: {  	_ =	shalt  }
0x70: {  	_ =	shalt  }
0x71: {  	_ =	shalt  }
0x72: {  	_ =	shalt  }
0x73: {  	_ =	shalt  }
0x74: {  	_ =	shalt  }
0x75: {  	_ =	shalt  }
0x76: {  	_ =	shalt  }
0x77: {  	_ =	shalt  }
0x78: {  	_ =	shalt  }
0x79: {  	_ =	shalt  }
0x7a: {  	_ =	shalt  }
0x7b: {  	_ =	shalt  }
0x7c: {  	_ =	shalt  }
0x7d: {  	_ =	shalt  }
0x7e: {  	_ =	shalt  }
0x7f: {  	_ =	shalt  }
0x80: {  	_ =	shalt  }
0x81: {  	_ =	shalt  }
0x82: {  	_ =	shalt  }
0x83: {  	_ =	shalt  }
0x84: {  	_ =	shalt  }
0x85: {  	_ =	shalt  }
0x86: {  	_ =	shalt  }
0x87: {  	_ =	shalt  }
.Lfunc_end0:
.L_simem_size_0:
called_computation.1_lowered:
.L_overlay_start_0:
0x88: {  	s2 =	sld [smem:$0x3FD9]  }
0x89: {  	s3 =	sld [smem:$0x3FFE];
	_ =	sdelay $0x1  }
0x8a: {  	s1 =	srdreg.scid  }
0x8b: {  	s0 =	sand.u32 $0x1, s1  }
0x8c: {  	s17 =	sshll.u32 s0, $0xA;
	s2 =	sadd.s32 s3, s2  }
0x8d: {  	s2 =	sadd.s32 s2, s17  }
0x8e: {  	[smem:$0x3FC6] =	sst s2  }
0x8f: {  	_ = 	snop  }
0x90: {  	s2 =	sld [smem:$0x3FD0];
	(tm) =	ssettm $0x1  }
0x91: {  	s18 =	sld [smem:$0x3FFB];
	_ =	sdelay $0x3  }
0x92: {  	_ =	strace s18  }
0x93: {  	s3 =	sld [smem:$0x3FFC];
	_ =	sdelay $0x3  }
0x94: {  	_ =	strace s3  }
0x95: {  	s3 =	sld [smem:$0x3FFD];
	_ =	sdelay $0x3  }
0x96: {  	_ =	strace s3  }
0x97: {  	_ =	strace $0x8FFFFFFF  }
0x98: {  	s19 =	sld [smem:$0x3FDB];
	_ =	sdelay $0x1  }
0x99: {  	s4 =	simm.s32 $_scs_section_size  }
0x9a: {  	s5 =	simm.s32 $_size__tile_overlayer_lowered;
	s6 =	simm.s32 $_tile_overlayer_lowered  }
0x9b: {  	s22 =	simm.s32 $0x1BFF;
	s21 =	sshll.u32 s6, $0x1;
	s3 =	sadd.s32 s4, s19  }
0x9c: {  	s7 =	simm.s32 $0x0;
	s20 =	sshll.u32 s5, $0x1;
	s5 =	sadd.s32 s21, s3  }
0x9d: {  	[timem:s7], [sflag:s22] =	dma.local [hbm:s5], s20  }
0x9e: {  	_ =	swait.ge [sflag:s22], s20  }
0x9f: {  	s4 =	ssub.s32 $0x0, s20;
	[sflag:s22] =	ssyncset.done $0x0  }
0xa0: {  	[sflag:s22] =	ssyncadd.s32 s4;
	_ =	sdelay $0x1  }
0xa1: {  	s23 =	simm.s32 $0x1B8B  }
0xa2: {  	_ =	swait.ge [sflag:s23], $0x1  }
0xa3: {  	[sflag:s23] =	ssyncset.done $0x0  }
0xa4: {  	s25 =	simm.s32 $0x1B8E;
	s24 =	sld [smem:$0x3FFE];
	[sflag:s23] =	ssyncadd.s32 $0xFFFFFFFF  }
0xa5: {  	s26 =	simm.s32 $execute0_lowered;
	[smem:$0x3FD2] =	sst s25  }
0xa6: {  	s5 =	sshll.u32 s26, $0x1;
	_ =	strace $0x80000046;
	[dreg:$0x1] =	wrdreg $0xFFFFFFFF  }
0xa7: {  	s28 =	simm.s32 $_size_execute0_lowered;
	s3 =	sadd.s32 s3, s5;
	[dreg:$0x0] =	wrdreg $0x0  }
0xa8: {  	s5 =	sshll.u32 s28, $0x1;
	[dreg:$0x2] =	wrdreg s3  }
0xa9: {  	[dreg:$0x3] =	wrdreg s5  }
0xaa: {  	[dreg:$0x4] =	wrdreg $0xC0  }
0xab: {  	_ =	task [dreg:s7], $0x5FFFF  }
0xac: {  	[dreg:$0x1] =	wrdreg $0xFFFFFFFF  }
0xad: {  	[dreg:$0x0] =	wrdreg $0x60  }
0xae: {  	[dreg:$0x2] =	wrdreg s24  }
0xaf: {  	[dreg:$0x3] =	wrdreg s2  }
0xb0: {  	[dreg:$0x4] =	wrdreg $0x9  }
0xb1: {  	_ =	task.clear_ibuf [dreg:s7], $0x5FFFF;
	_ =	strace $0x90000046  }
0xb2: {  	s29 =	simm.s32 $0x9;
	_ =	strace $0x80000048  }
0xb3: {  	_ =	swait.ge [sflag:s29], $0x1  }
0xb4: {  	[sflag:s29] =	ssyncadd.s32 $0xFFFFFFFF  }
0xb5: {  	_ =	strace $0x90000048  }
0xb6: {  	_ =	sfence  }
0xb7: {  	s30 =	sld [smem:$0x0];
	_ =	sdelay $0x2  }
0xb8: {  	s31 =	sshll.u32 s1, $0xD;
	s1 =	sshrl.u32 s1, $0x2  }
0xb9: {  	s3 =	sand.u32 $0x4000, s31;
	s1 =	sadd.s32 s1, s30  }
0xba: {  	s0 =	sor.u32 s3, s0;
	s1 =	sshll.u32 s1, $0x11  }
0xbb: {  	s0 =	sor.u32 s1, s0  }
0xbc: {  	s0 =	sadd.s32 $0x8F2B, s0  }
0xbd: {  	[sflag:s0] =	ssyncadd.remote.s32 $0x1  }
0xbe: {  	_ =	sfence.sel $0xFFFF  }
0xbf: {  	[dreg:$0x0] =	wrdreg $0xFFFFFFFF;
	(pc) =	sbr.abs _section_cstart, $3  }
0xc0: {  	[dreg:$0x1] =	wrdreg $0xFFFFFFFF  }
0xc1: {  	_ =	task.clear_ibuf [dreg:s7], $0x2FFFF;
	_ =	strace $0x9FFFFFFF  }
0xc2: {  	(tm) =	ssettm $0x7FFFFFFF  }
0xc3: {  	_ =	shalt  }
tec
execute0_lowered:
.L_overlay_start_1:
0x0: {  	(tag) =	ssettag $0x1  }
0x1: {  	s1 =	srdreg.scid  }
0x2: {  	s0 =	stileid.u32;
	s6 =	rddreg [dreg:$0x0]  }
0x3: {  	s2 =	rddreg [dreg:$0x1];
	s4 =	simm.s32 $0x0;
	s9 =	simm.s32 $0x80  }
0x4: {  	s10 =	simm.s32 $0x6400;
	s11 =	simm.s32 $0x8400;
	s12 =	simm.s32 $0x100  }
0x5: {  	s13 =	simm.s32 $0xA400;
	s14 =	simm.s32 $0x180;
	s15 =	simm.s32 $0xC400  }
0x6: {  	s16 =	simm.s32 $0x200;
	s17 =	simm.s32 $0xE400;
	s18 =	simm.s32 $0x10400  }
0x7: {  	s19 =	simm.s32 $0x12400;
	s5 =	sand.u32 $0x1, s1;
	s31 =	sshll.u32 s0, $0x1  }
0x8: {  	s20 =	simm.s32 $0x14400;
	s21 =	simm.s32 $0x16400;
	s1 =	sor.u32 s5, s31  }
0x9: {  	s22 =	simm.s32 $0x18400;
	s23 =	simm.s32 $0x1;
	s3 =	smul.u32 $0x6400, s1  }
.Ltmp0:
0xa: {  	s24 =	simm.s32 $0x2;
	[smem:$0x7FF] =	sst s4;
	(pc) =	sbr.rel .LBB2_1-.Ltmp0, $4  }
0xb: {  	s25 =	simm.s32 $0x0;
	s5 =	ssub.s32 $0x2, s5;
	s1 =	rddreg [dreg:$0x2]  }
0xc: {  	s8 =	sshrl.u32 s5, $0x1;
	_ =	strace $0x80000047;
	s7 =	sshrl.u32 s3, $0x3  }
0xd: {  	s8 =	ssub.s32 s5, s8;
	s5 =	sadd.s32 $0x19800, s6;
	s7 =	sadd.s32 s7, s6  }
0xe: {  	v0 =	vimm.f32 $0.0e+00;
	s6 =	sadd.s32 $0x800, s7;
	s7 =	smax.u32 s8, $0x1;
	s8 =	simm.s32 $0x3  }
.LBB2_16:
0xf: {  	s25 =	sadd.s32 $0x1, s25  }
0x10: {  	p0 =	sne.s32 s25, s7  }
.Ltmp1:
0x11: {  	_ = 	snop;
	(pc) =	sbr.rel @!p0 .LBB2_17-.Ltmp1, $1  }
0x12: {  	_ =	sdelay $0x3  }
.LBB2_1:
0x13: {  	[tilespmem:s4], [sflag:$0x3] =	stream.linear.gather [hbm4b:s6+s4], $0x6400, $0x38;
	[tilespmem:$0x1A400] =	vst v63  }
0x14: {  	_ =	swait.ge [sflag:s8], $0x6400  }
0x15: {  	[sflag:s8] =	ssyncset.done $0x0  }
0x16: {  	s28 =	simm.s32 $0x20;
	[sflag:s8] =	ssyncadd.s32 $0xFFFF9C00  }
0x17: {  	v3 =	vld [tilespmem:s28+$0xFFFFFFE0]  }
0x18: {  	v4 =	vld [tilespmem:s28+$0x0]  }
0x19: {  	v1 =	vld [tilespmem:s28+$0x10]  }
0x1a: {  	v2 =	vld [tilespmem:s28+$0xFFFFFFF0];
	_ =	sdelay $0x1  }
0x1b: {  	vm0 =	vgt.u32 v3, $0x3D08F  }
0x1c: {  	v3 =	vsel vm0, $0xFFFFFFFF, v3;
	vm0 =	vgt.u32 v4, $0x3D08F  }
0x1d: {  	s29 =	simm.s32 $0x0;
	s30 =	simm.s32 $0x60;
	[tilespmem:s28+$0xFFFFFFE0] =	vst v3;
	v3 =	vsel vm0, $0xFFFFFFFF, v4;
	vm0 =	vgt.u32 v1, $0x3D08F  }
.LBB2_2:
0x1e: {  	v4 =	vld [tilespmem:s30+$0xFFFFFFE0];
	vm1 =	vgt.u32 v2, $0x3D08F;
	[tilespmem:s28+$0x0] =	vst v3;
	v1 =	vsel vm0, $0xFFFFFFFF, v1  }
0x1f: {  	s26 =	simm.s32 $0x6440;
	s29 =	sadd.s32 $0x4, s29;
	v3 =	vld [tilespmem:s30+$0x0];
	v2 =	vsel vm1, $0xFFFFFFFF, v2;
	[tilespmem:s28+$0x10] =	vst v1  }
0x20: {  	p0 =	slt.u32 s29, $0x63C;
	v1 =	vld [tilespmem:s30+$0x10];
	[tilespmem:s28+$0xFFFFFFF0] =	vst v2;
	s28 =	smov.u32 s30  }
.Ltmp2:
0x21: {  	v2 =	vld [tilespmem:s30+$0xFFFFFFF0];
	(pc) =	sbr.rel @p0 .LBB2_2-.Ltmp2, $4  }
0x22: {  	_ = 	snop  }
0x23: {  	vm0 =	vgt.u32 v4, $0x3D08F  }
0x24: {  	v4 =	vsel vm0, $0xFFFFFFFF, v4;
	vm0 =	vgt.u32 v3, $0x3D08F  }
0x25: {  	s30 =	sadd.s32 $0x40, s30;
	[tilespmem:s28+$0xFFFFFFE0] =	vst v4;
	v3 =	vsel vm0, $0xFFFFFFFF, v3;
	vm0 =	vgt.u32 v1, $0x3D08F  }
0x26: {  	vm1 =	vgt.u32 v2, $0x3D08F;
	[tilespmem:s28+$0x0] =	vst v3;
	v1 =	vsel vm0, $0xFFFFFFFF, v1  }
0x27: {  	v2 =	vsel vm1, $0xFFFFFFFF, v2;
	[tilespmem:s28+$0x10] =	vst v1  }
0x28: {  	[tilespmem:s28+$0xFFFFFFF0] =	vst v2  }
0x29: {  	[tilespmem:s26+$0xFFFFFFC0] =	vst v0  }
0x2a: {  	[tilespmem:s26+$0x30] =	vst v0  }
0x2b: {  	[tilespmem:s26+$0x20] =	vst v0  }
0x2c: {  	[tilespmem:s26+$0x10] =	vst v0  }
0x2d: {  	[tilespmem:s26+$0x0] =	vst v0  }
0x2e: {  	[tilespmem:s26+$0xFFFFFFF0] =	vst v0  }
0x2f: {  	s29 =	simm.s32 $0x0;
	[tilespmem:s26+$0xFFFFFFE0] =	vst v0  }
.LBB2_4:
0x30: {  	s29 =	sadd.s32 $0x8, s29;
	[tilespmem:s26+$0xFFFFFFD0] =	vst v0;
	s26 =	sadd.s32 $0x80, s26;
	s28 =	simm.s32 $0x10440  }
0x31: {  	[tilespmem:s26+$0xFFFFFFC0] =	vst v0;
	p0 =	slt.u32 s29, $0x9F8  }
0x32: {  	[tilespmem:s26+$0x30] =	vst v0  }
.Ltmp3:
0x33: {  	[tilespmem:s26+$0x20] =	vst v0;
	(pc) =	sbr.rel @p0 .LBB2_4-.Ltmp3, $4  }
0x34: {  	[tilespmem:s26+$0x10] =	vst v0  }
0x35: {  	[tilespmem:s26+$0x0] =	vst v0  }
0x36: {  	[tilespmem:s26+$0xFFFFFFF0] =	vst v0  }
0x37: {  	[tilespmem:s26+$0xFFFFFFE0] =	vst v0  }
0x38: {  	[tilespmem:s26+$0xFFFFFFD0] =	vst v0  }
0x39: {  	[tilespmem:s28+$0xFFFFFFC0] =	vst v0  }
0x3a: {  	[tilespmem:s28+$0x30] =	vst v0  }
0x3b: {  	[tilespmem:s28+$0x20] =	vst v0  }
0x3c: {  	[tilespmem:s28+$0x10] =	vst v0  }
0x3d: {  	[tilespmem:s28+$0x0] =	vst v0  }
0x3e: {  	[tilespmem:s28+$0xFFFFFFF0] =	vst v0  }
0x3f: {  	s26 =	simm.s32 $0x0;
	[tilespmem:s28+$0xFFFFFFE0] =	vst v0  }
.LBB2_6:
0x40: {  	s26 =	sadd.s32 $0x8, s26;
	[tilespmem:s28+$0xFFFFFFD0] =	vst v0;
	s28 =	sadd.s32 $0x80, s28  }
0x41: {  	[tilespmem:s28+$0xFFFFFFC0] =	vst v0;
	p0 =	slt.u32 s26, $0x9F8  }
0x42: {  	[tilespmem:s28+$0x30] =	vst v0  }
.Ltmp4:
0x43: {  	[tilespmem:s28+$0x20] =	vst v0;
	(pc) =	sbr.rel @p0 .LBB2_6-.Ltmp4, $4  }
0x44: {  	[tilespmem:s28+$0x10] =	vst v0  }
0x45: {  	[tilespmem:s28+$0x0] =	vst v0  }
0x46: {  	[tilespmem:s28+$0xFFFFFFF0] =	vst v0  }
0x47: {  	[tilespmem:s28+$0xFFFFFFE0] =	vst v0  }
0x48: {  	[tilespmem:s28+$0xFFFFFFD0] =	vst v0;
	(ifvalue) =	ssetifvalue $0xFFFFFFFF  }
0x49: {  	s26 =	simm.s32 $0x0;
	(ifvalue) =	ssetifvalue $0xFFFFFFFF  }
0x4a: {  	[tilespmem:s10], [sflag:$0x1] =	stream.indirect.gather [hbm4b:s5+s9], $0x40, s26, s9, $0x40b8;
	[tilespmem:$0x1A400] =	vst v63  }
0x4b: {  	(ifvalue) =	ssetifvalue $0xFFFFFFFF  }
0x4c: {  	(ifvalue) =	ssetifvalue $0xFFFFFFFF  }
0x4d: {  	[tilespmem:s11], [sflag:$0x1] =	stream.indirect.gather [hbm4b:s5+s9], $0x40, s9, s9, $0x40b8;
	[tilespmem:$0x1A400] =	vst v63  }
0x4e: {  	(ifvalue) =	ssetifvalue $0xFFFFFFFF  }
0x4f: {  	(ifvalue) =	ssetifvalue $0xFFFFFFFF  }
0x50: {  	[tilespmem:s13], [sflag:$0x1] =	stream.indirect.gather [hbm4b:s5+s9], $0x40, s12, s9, $0x40b8;
	[tilespmem:$0x1A400] =	vst v63  }
0x51: {  	(ifvalue) =	ssetifvalue $0xFFFFFFFF  }
0x52: {  	(ifvalue) =	ssetifvalue $0xFFFFFFFF  }
0x53: {  	[tilespmem:s15], [sflag:$0x1] =	stream.indirect.gather [hbm4b:s5+s9], $0x40, s14, s9, $0x40b8;
	[tilespmem:$0x1A400] =	vst v63  }
0x54: {  	(ifvalue) =	ssetifvalue $0xFFFFFFFF  }
0x55: {  	(ifvalue) =	ssetifvalue $0xFFFFFFFF  }
0x56: {  	[tilespmem:s17], [sflag:$0x1] =	stream.indirect.gather [hbm4b:s5+s9], $0x40, s16, s9, $0x40b8;
	[tilespmem:$0x1A400] =	vst v63  }
.LBB2_8:
0x57: {  	s29 =	smul.u32 $0x500, s26  }
0x58: {  	(ifvalue) =	ssetifvalue $0xFFFFFFFF  }
0x59: {  	(ifvalue) =	ssetifvalue $0xFFFFFFFF;
	s28 =	sadd.s32 $0x280, s29  }
0x5a: {  	[tilespmem:s18], [sflag:$0x2] =	stream.indirect.gather [hbm4b:s5+s9], $0x40, s28, s9, $0x40b8;
	[tilespmem:$0x1A400] =	vst v63  }
0x5b: {  	(ifvalue) =	ssetifvalue $0xFFFFFFFF  }
0x5c: {  	s30 =	sadd.s32 $0x300, s29;
	(ifvalue) =	ssetifvalue $0xFFFFFFFF  }
0x5d: {  	[tilespmem:s19], [sflag:$0x2] =	stream.indirect.gather [hbm4b:s5+s9], $0x40, s30, s9, $0x40b8;
	[tilespmem:$0x1A400] =	vst v63  }
0x5e: {  	(ifvalue) =	ssetifvalue $0xFFFFFFFF  }
0x5f: {  	s31 =	sadd.s32 $0x380, s29;
	(ifvalue) =	ssetifvalue $0xFFFFFFFF  }
0x60: {  	[tilespmem:s20], [sflag:$0x2] =	stream.indirect.gather [hbm4b:s5+s9], $0x40, s31, s9, $0x40b8;
	[tilespmem:$0x1A400] =	vst v63  }
0x61: {  	(ifvalue) =	ssetifvalue $0xFFFFFFFF  }
0x62: {  	s31 =	sadd.s32 $0x400, s29;
	(ifvalue) =	ssetifvalue $0xFFFFFFFF  }
0x63: {  	[tilespmem:s21], [sflag:$0x2] =	stream.indirect.gather [hbm4b:s5+s9], $0x40, s31, s9, $0x40b8;
	[tilespmem:$0x1A400] =	vst v63  }
0x64: {  	(ifvalue) =	ssetifvalue $0xFFFFFFFF  }
0x65: {  	s31 =	sadd.s32 $0x480, s29;
	(ifvalue) =	ssetifvalue $0xFFFFFFFF  }
0x66: {  	[tilespmem:s22], [sflag:$0x2] =	stream.indirect.gather [hbm4b:s5+s9], $0x40, s31, s9, $0x40b8;
	[tilespmem:$0x1A400] =	vst v63  }
0x67: {  	_ =	swait.ge [sflag:s23], $0x2000  }
0x68: {  	[sflag:s23] =	ssyncset.done $0x0  }
0x69: {  	[sflag:s23] =	ssyncadd.s32 $0xFFFFE000  }
0x6a: {  	_ =	swait.ge [sflag:s23], $0x2000  }
0x6b: {  	[sflag:s23] =	ssyncset.done $0x0  }
0x6c: {  	[sflag:s23] =	ssyncadd.s32 $0xFFFFE000  }
0x6d: {  	_ =	swait.ge [sflag:s23], $0x2000  }
0x6e: {  	[sflag:s23] =	ssyncset.done $0x0  }
0x6f: {  	[sflag:s23] =	ssyncadd.s32 $0xFFFFE000  }
0x70: {  	_ =	swait.ge [sflag:s23], $0x2000  }
0x71: {  	[sflag:s23] =	ssyncset.done $0x0  }
0x72: {  	[sflag:s23] =	ssyncadd.s32 $0xFFFFE000  }
0x73: {  	s31 =	sadd.s32 s3, s29;
	_ =	swait.ge [sflag:s23], $0x2000  }
0x74: {  	p0 =	seq.s32 s26, $0x13;
	s30 =	sshll.u32 s31, $0x3;
	[sflag:s23] =	ssyncset.done $0x0  }
.Ltmp5:
0x75: {  	s30 =	sadd.s32 s2, s30;
	[sflag:s23] =	ssyncadd.s32 $0xFFFFE000;
	(pc) =	sbr.rel @p0 .LBB2_12-.Ltmp5, $4  }
0x76: {  	[hbm4b:s30+s4] =	stream.linear.scatter [tilespmem:s10], [sflag:$0x3], $0xA000, $0x38;
	[tilespmem:$0x1A400] =	vst v63  }
0x77: {  	_ =	swait.ge [sflag:s8], $0xA000  }
0x78: {  	[sflag:s8] =	ssyncset.done $0x0  }
0x79: {  	[sflag:s8] =	ssyncadd.s32 $0xFFFF6000  }
0x7a: {  	s30 =	simm.s32 $0x6440  }
0x7b: {  	[tilespmem:s30+$0xFFFFFFC0] =	vst v0  }
0x7c: {  	[tilespmem:s30+$0x30] =	vst v0  }
0x7d: {  	[tilespmem:s30+$0x20] =	vst v0  }
0x7e: {  	[tilespmem:s30+$0x10] =	vst v0  }
0x7f: {  	[tilespmem:s30+$0x0] =	vst v0  }
0x80: {  	[tilespmem:s30+$0xFFFFFFF0] =	vst v0  }
0x81: {  	s31 =	simm.s32 $0x0;
	[tilespmem:s30+$0xFFFFFFE0] =	vst v0  }
.LBB2_10:
0x82: {  	s31 =	sadd.s32 $0x8, s31;
	[tilespmem:s30+$0xFFFFFFD0] =	vst v0;
	s30 =	sadd.s32 $0x80, s30  }
0x83: {  	[tilespmem:s30+$0xFFFFFFC0] =	vst v0;
	p1 =	slt.u32 s31, $0x9F8  }
0x84: {  	[tilespmem:s30+$0x30] =	vst v0  }
.Ltmp6:
0x85: {  	[tilespmem:s30+$0x20] =	vst v0;
	(pc) =	sbr.rel @p1 .LBB2_10-.Ltmp6, $4  }
0x86: {  	[tilespmem:s30+$0x10] =	vst v0  }
0x87: {  	[tilespmem:s30+$0x0] =	vst v0  }
0x88: {  	[tilespmem:s30+$0xFFFFFFF0] =	vst v0  }
0x89: {  	[tilespmem:s30+$0xFFFFFFE0] =	vst v0  }
0x8a: {  	[tilespmem:s30+$0xFFFFFFD0] =	vst v0;
	(ifvalue) =	ssetifvalue $0xFFFFFFFF  }
0x8b: {  	s31 =	sadd.s32 $0x500, s29;
	(ifvalue) =	ssetifvalue $0xFFFFFFFF  }
0x8c: {  	[tilespmem:s10], [sflag:$0x1] =	stream.indirect.gather [hbm4b:s5+s9], $0x40, s31, s9, $0x40b8;
	[tilespmem:$0x1A400] =	vst v63  }
0x8d: {  	(ifvalue) =	ssetifvalue $0xFFFFFFFF  }
0x8e: {  	s31 =	sadd.s32 $0x580, s29;
	(ifvalue) =	ssetifvalue $0xFFFFFFFF  }
0x8f: {  	[tilespmem:s11], [sflag:$0x1] =	stream.indirect.gather [hbm4b:s5+s9], $0x40, s31, s9, $0x40b8;
	[tilespmem:$0x1A400] =	vst v63  }
0x90: {  	(ifvalue) =	ssetifvalue $0xFFFFFFFF  }
0x91: {  	s31 =	sadd.s32 $0x600, s29;
	(ifvalue) =	ssetifvalue $0xFFFFFFFF  }
0x92: {  	[tilespmem:s13], [sflag:$0x1] =	stream.indirect.gather [hbm4b:s5+s9], $0x40, s31, s9, $0x40b8;
	[tilespmem:$0x1A400] =	vst v63  }
0x93: {  	(ifvalue) =	ssetifvalue $0xFFFFFFFF  }
0x94: {  	s31 =	sadd.s32 $0x680, s29;
	(ifvalue) =	ssetifvalue $0xFFFFFFFF  }
0x95: {  	[tilespmem:s15], [sflag:$0x1] =	stream.indirect.gather [hbm4b:s5+s9], $0x40, s31, s9, $0x40b8;
	[tilespmem:$0x1A400] =	vst v63  }
0x96: {  	(ifvalue) =	ssetifvalue $0xFFFFFFFF  }
0x97: {  	s31 =	sadd.s32 $0x700, s29;
	(ifvalue) =	ssetifvalue $0xFFFFFFFF  }
0x98: {  	[tilespmem:s17], [sflag:$0x1] =	stream.indirect.gather [hbm4b:s5+s9], $0x40, s31, s9, $0x40b8;
	[tilespmem:$0x1A400] =	vst v63  }
.LBB2_12:
0x99: {  	_ =	swait.ge [sflag:s24], $0x2000  }
0x9a: {  	[sflag:s24] =	ssyncset.done $0x0  }
0x9b: {  	[sflag:s24] =	ssyncadd.s32 $0xFFFFE000  }
0x9c: {  	_ =	swait.ge [sflag:s24], $0x2000  }
0x9d: {  	[sflag:s24] =	ssyncset.done $0x0  }
0x9e: {  	[sflag:s24] =	ssyncadd.s32 $0xFFFFE000  }
0x9f: {  	_ =	swait.ge [sflag:s24], $0x2000  }
0xa0: {  	[sflag:s24] =	ssyncset.done $0x0  }
0xa1: {  	[sflag:s24] =	ssyncadd.s32 $0xFFFFE000  }
0xa2: {  	_ =	swait.ge [sflag:s24], $0x2000  }
0xa3: {  	[sflag:s24] =	ssyncset.done $0x0  }
0xa4: {  	s28 =	sadd.s32 s3, s28;
	[sflag:s24] =	ssyncadd.s32 $0xFFFFE000  }
0xa5: {  	s28 =	sshll.u32 s28, $0x3;
	_ =	swait.ge [sflag:s24], $0x2000  }
0xa6: {  	s28 =	sand.u32 $0x1FFFFC00, s28;
	[sflag:s24] =	ssyncset.done $0x0  }
.Ltmp7:
0xa7: {  	s28 =	sadd.s32 s2, s28;
	[sflag:s24] =	ssyncadd.s32 $0xFFFFE000;
	(pc) =	sbr.rel @p0 .LBB2_16-.Ltmp7, $4  }
0xa8: {  	[hbm4b:s28+s4] =	stream.linear.scatter [tilespmem:s18], [sflag:$0x3], $0xA000, $0x38;
	[tilespmem:$0x1A400] =	vst v63  }
0xa9: {  	_ =	swait.ge [sflag:s8], $0xA000  }
0xaa: {  	[sflag:s8] =	ssyncset.done $0x0  }
0xab: {  	[sflag:s8] =	ssyncadd.s32 $0xFFFF6000  }
0xac: {  	s28 =	simm.s32 $0x10440  }
0xad: {  	[tilespmem:s28+$0xFFFFFFC0] =	vst v0  }
0xae: {  	[tilespmem:s28+$0x30] =	vst v0  }
0xaf: {  	[tilespmem:s28+$0x20] =	vst v0  }
0xb0: {  	[tilespmem:s28+$0x10] =	vst v0  }
0xb1: {  	[tilespmem:s28+$0x0] =	vst v0  }
0xb2: {  	[tilespmem:s28+$0xFFFFFFF0] =	vst v0  }
0xb3: {  	s29 =	simm.s32 $0x0;
	[tilespmem:s28+$0xFFFFFFE0] =	vst v0  }
.LBB2_14:
0xb4: {  	s29 =	sadd.s32 $0x8, s29;
	[tilespmem:s28+$0xFFFFFFD0] =	vst v0;
	s28 =	sadd.s32 $0x80, s28  }
0xb5: {  	[tilespmem:s28+$0xFFFFFFC0] =	vst v0;
	p0 =	slt.u32 s29, $0x9F8  }
0xb6: {  	[tilespmem:s28+$0x30] =	vst v0  }
.Ltmp8:
0xb7: {  	[tilespmem:s28+$0x20] =	vst v0;
	(pc) =	sbr.rel @p0 .LBB2_14-.Ltmp8, $4  }
0xb8: {  	[tilespmem:s28+$0x10] =	vst v0  }
0xb9: {  	[tilespmem:s28+$0x0] =	vst v0  }
0xba: {  	[tilespmem:s28+$0xFFFFFFF0] =	vst v0  }
0xbb: {  	[tilespmem:s28+$0xFFFFFFE0] =	vst v0  }
.Ltmp9:
0xbc: {  	(pc) =	sbr.rel .LBB2_8-.Ltmp9, $2  }
0xbd: {  	_ =	sdelay $0x2  }
0xbe: {  	[tilespmem:s28+$0xFFFFFFD0] =	vst v0;
	s26 =	sadd.s32 $0x1, s26  }
.LBB2_17:
0xbf: {  	_ =	sfence.sel $0x180000  }
0xc0: {  	[bflag:$0x0] =	sbarrier.arrive $0xFFFF  }
0xc1: {  	p0 =	sne.s32 s0, $0x0;
	_ =	strace $0x90000047  }
0xc2: {  	s0 =	sadd.s32 @!p0 $0x100000, s1;
	[bflag:$0x2] =	sbarrier.arrive $0xFFFF  }
0xc3: {  	[sflag:s0] =	ssyncadd.tile.s32 @!p0 $0x1;
	_ =	shalt  }
.Lfunc_end2:
_tile_overlayer_lowered:
.L_overlay_start_2:
0xc4: {  	(tag) =	ssettag $0x2  }
0xc5: {  	s0 =	rddreg [dreg:$0x0];
	s2 =	stileid.u32  }
0xc6: {  	s1 =	rddreg [dreg:$0x1];
	p0 =	sne.s32 s2, $0x0  }
0xc7: {  	s3 =	rddreg [dreg:$0x2];
	[bflag:$0x3] =	sbarrier.arrive $0xFFFF;
	s2 =	simm.s32 @!p0 $0x1C03  }
0xc8: {  	[timem:s3], [sflag:s2] =	dma.local @!p0 [hbm:s0], s1  }
0xc9: {  	s0 =	simm.s32 @!p0 $0x3  }
0xca: {  	_ =	swait.ge @!p0 [sflag:s0], s1  }
0xcb: {  	s1 =	ssub.s32 @!p0 $0x0, s1;
	[sflag:s0] =	ssyncset.done @!p0 $0x0  }
0xcc: {  	[sflag:s0] =	ssyncadd.s32 @!p0 s1  }
0xcd: {  	[bflag:$0x3] =	sbarrier.arrive $0xFFFF  }
0xce: {  	_ =	shalt  }

// kernel: sparse-core-data-format-call.cloned.1.call-start
scs
called_computation_lowered:
.L_overlay_start_0:
0x0: {  	s2 =	sld [smem:$0x3FD9]  }
0x1: {  	s3 =	sld [smem:$0x3FFE];
	_ =	sdelay $0x1  }
0x2: {  	s1 =	srdreg.scid  }
0x3: {  	s0 =	sand.u32 $0x1, s1  }
0x4: {  	s18 =	sshll.u32 s0, $0xA;
	s2 =	sadd.s32 s3, s2  }
0x5: {  	s2 =	sadd.s32 s2, s18  }
0x6: {  	[smem:$0x3FC6] =	sst s2  }
0x7: {  	_ = 	snop  }
0x8: {  	s2 =	sld [smem:$0x3FD0];
	(tm) =	ssettm $0x1  }
0x9: {  	s19 =	sld [smem:$0x3FFB];
	_ =	sdelay $0x3  }
0xa: {  	_ =	strace s19  }
0xb: {  	s3 =	sld [smem:$0x3FFC];
	_ =	sdelay $0x3  }
0xc: {  	_ =	strace s3  }
0xd: {  	s3 =	sld [smem:$0x3FFD];
	_ =	sdelay $0x3  }
0xe: {  	_ =	strace s3  }
0xf: {  	_ =	strace $0x8FFFFFFF  }
0x10: {  	s20 =	sld [smem:$0x3FDB];
	_ =	sdelay $0x1  }
0x11: {  	s4 =	simm.s32 $_scs_section_size  }
0x12: {  	s5 =	simm.s32 $_size__tile_overlayer_lowered;
	s6 =	simm.s32 $_tile_overlayer_lowered  }
0x13: {  	s23 =	simm.s32 $0x1BFF;
	s22 =	sshll.u32 s6, $0x1;
	s3 =	sadd.s32 s4, s20  }
0x14: {  	s7 =	simm.s32 $0x0;
	s21 =	sshll.u32 s5, $0x1;
	s5 =	sadd.s32 s22, s3  }
0x15: {  	[timem:s7], [sflag:s23] =	dma.local [hbm:s5], s21  }
0x16: {  	_ =	swait.ge [sflag:s23], s21  }
0x17: {  	s4 =	ssub.s32 $0x0, s21;
	[sflag:s23] =	ssyncset.done $0x0  }
0x18: {  	[sflag:s23] =	ssyncadd.s32 s4;
	_ =	sdelay $0x1  }
0x19: {  	s24 =	simm.s32 $0x1B8B  }
0x1a: {  	_ =	swait.ge [sflag:s24], $0x1  }
0x1b: {  	[sflag:s24] =	ssyncset.done $0x0  }
0x1c: {  	s26 =	simm.s32 $0x1B8E;
	s25 =	sld [smem:$0x3FFE];
	[sflag:s24] =	ssyncadd.s32 $0xFFFFFFFF  }
0x1d: {  	s27 =	simm.s32 $execute0_lowered;
	[smem:$0x3FD2] =	sst s26  }
0x1e: {  	s5 =	sshll.u32 s27, $0x1;
	_ =	strace $0x80000049;
	[dreg:$0x1] =	wrdreg $0xFFFFFFFF  }
0x1f: {  	s28 =	simm.s32 $_size_execute0_lowered;
	s3 =	sadd.s32 s3, s5;
	[dreg:$0x0] =	wrdreg $0x0  }
0x20: {  	s5 =	sshll.u32 s28, $0x1;
	[dreg:$0x2] =	wrdreg s3  }
0x21: {  	[dreg:$0x3] =	wrdreg s5  }
0x22: {  	[dreg:$0x4] =	wrdreg $0xC0  }
0x23: {  	_ =	task [dreg:s7], $0x5FFFF  }
0x24: {  	[dreg:$0x1] =	wrdreg $0xFFFFFFFF  }
0x25: {  	[dreg:$0x0] =	wrdreg $0x60  }
0x26: {  	[dreg:$0x2] =	wrdreg s25  }
0x27: {  	[dreg:$0x3] =	wrdreg s2  }
0x28: {  	[dreg:$0x4] =	wrdreg $0x9  }
0x29: {  	_ =	task.clear_ibuf [dreg:s7], $0x5FFFF;
	_ =	strace $0x90000049  }
0x2a: {  	s29 =	simm.s32 $0x9;
	_ =	strace $0x8000004B  }
0x2b: {  	_ =	swait.ge [sflag:s29], $0x1  }
0x2c: {  	[sflag:s29] =	ssyncadd.s32 $0xFFFFFFFF  }
0x2d: {  	_ =	strace $0x9000004B  }
0x2e: {  	_ =	sfence  }
0x2f: {  	s30 =	sld [smem:$0x0];
	_ =	sdelay $0x2  }
0x30: {  	s31 =	sshll.u32 s1, $0xD;
	s1 =	sshrl.u32 s1, $0x2  }
0x31: {  	s3 =	sand.u32 $0x4000, s31;
	s1 =	sadd.s32 s1, s30  }
0x32: {  	s0 =	sor.u32 s3, s0;
	s1 =	sshll.u32 s1, $0x11  }
0x33: {  	s0 =	sor.u32 s1, s0  }
0x34: {  	s0 =	sadd.s32 $0x8F2B, s0  }
0x35: {  	[sflag:s0] =	ssyncadd.remote.s32 $0x1  }
0x36: {  	_ =	sfence.sel $0xFFFF  }
0x37: {  	[dreg:$0x0] =	wrdreg $0xFFFFFFFF;
	(pc) =	sbr.abs _section_cstart, $3  }
0x38: {  	[dreg:$0x1] =	wrdreg $0xFFFFFFFF  }
0x39: {  	_ =	task.clear_ibuf [dreg:s7], $0x2FFFF;
	_ =	strace $0x9FFFFFFF  }
0x3a: {  	(tm) =	ssettm $0x7FFFFFFF  }
0x3b: {  	_ =	shalt  }
tec
execute0_lowered:
.L_overlay_start_1:
0x0: {  	(tag) =	ssettag $0x1  }
0x1: {  	s0 =	srdreg.scid  }
0x2: {  	s1 =	sshll.u32 s0, $0x4  }
0x3: {  	s0 =	stileid.u32;
	s1 =	sand.u32 $0x10, s1  }
0x4: {  	s1 =	sor.u32 s0, s1  }
0x5: {  	s6 =	rddreg [dreg:$0x0];
	s4 =	simm.s32 $0x1;
	s2 =	sshll.u32 s1, $0x7  }
0x6: {  	s7 =	simm.s32 $0x2;
	s12 =	simm.s32 $0x0;
	s1 =	ssub.s32 $0x4000, s2  }
0x7: {  	s8 =	simm.s32 $0x20000;
	s13 =	simm.s32 $0x0;
	s3 =	sand.u32 $0xF80, s1  }
0x8: {  	s9 =	simm.s32 $0x0;
	s5 =	sshrl.u32 s1, $0xC;
	p0 =	sne.s32 s3, $0x0  }
.Ltmp0:
0x9: {  	s1 =	rddreg [dreg:$0x2];
	s4 =	simm.s32 @!p0 $0x0;
	(pc) =	sbr.rel .LBB1_1-.Ltmp0, $4  }
0xa: {  	s11 =	simm.s32 $0x0;
	s3 =	rddreg [dreg:$0x1];
	s5 =	sadd.s32 s4, s5  }
0xb: {  	_ =	strace $0x8000004A;
	s4 =	simm.s32 $0x1;
	s5 =	smul.u32 $0x32, s5  }
0xc: {  	s6 =	sadd.s32 $0x800, s6;
	s10 =	smov.u32 s2;
	[sflag:s4] =	ssyncpa.u1 $0x0  }
0xd: {  	p0 =	por $0x0, $0x0;
	[sflag:s7] =	ssyncpa.u1 $0x0;
	s7 =	sor.u32 $0x1, s5  }
.LBB1_4:
0xe: {  	s16 =	sshll.u32 s13, $0x3;
	s17 =	sand.u32 $0x78, s13  }
0xf: {  	s30 =	sand.u32 $0x1F800, s13;
	s12 =	sshll.u32 s12, $0x11;
	s16 =	sand.u32 $0x3C00, s16  }
0x10: {  	[tilespmem:s15+$0x810 ss:$0x81] =	vst.msk $0xffff, v2;
	s31 =	sand.u32 $0x7, s13;
	s16 =	sor.u32 s17, s16;
	s17 =	sadd.s32 s3, s30  }
0x11: {  	[tilespmem:s15+$0x1020 ss:$0x81] =	vst.msk $0xffff, v0;
	s13 =	sshll.u32 s31, $0x12;
	s12 =	sadd.s32 s12, s17;
	s16 =	sshrl.u32 s16, $0x3  }
0x12: {  	[tilespmem:s15+$0x0 ss:$0x81] =	vst.msk $0xffff, v1;
	s13 =	sor.u32 $0x400, s13;
	s12 =	sadd.s32 s16, s12  }
0x13: {  	[hbm4b:s12+s13] =	stream.strided.scatter [tilespmem:s14], [sflag:$0x2], $0x2000, s8, s13, $0x20;
	[tilespmem:$0x8080] =	vst v63  }
.LBB1_5:
0x14: {  	s14 =	sadd.s32 $0x1, s9  }
0x15: {  	s12 =	sadd.s32 $0x1000, s10;
	s16 =	smov.u32 s10;
	p2 =	sgt.s32 s14, $0x31  }
0x16: {  	s16 =	smov.u32 @p2 s12  }
0x17: {  	s14 =	simm.s32 @p2 $0x0;
	p2 =	sgt.s32 s16, $0x3FFF  }
0x18: {  	s16 =	smov.u32 @p2 s2;
	p2 =	sne.s32 s11, s7  }
.Ltmp1:
0x19: {  	p1 =	slt.u32 s11, $0x2;
	(pc) =	sbr.rel @!p2 .LBB1_6-.Ltmp1, $4  }
0x1a: {  	s15 =	simm.s32 @!p1 $0x2  }
0x1b: {  	s13 =	smov.u32 s10;
	p0 =	por !p0, !p0;
	_ =	swait.ge @!p1 [sflag:s15], $0x2000  }
0x1c: {  	s12 =	smov.u32 s9;
	[sflag:s15] =	ssyncset.done @!p1 $0x0;
	s9 =	smov.u32 s14  }
0x1d: {  	s11 =	sadd.s32 $0x1, s11;
	[sflag:s15] =	ssyncadd.s32 @!p1 $0xFFFFE000;
	s10 =	smov.u32 s16  }
.LBB1_1:
0x1e: {  	p1 =	sge.u32 s11, s5  }
0x1f: {  	s14 =	sand.u32 @!p1 $0x1FFFFFF, s9  }
0x20: {  	s15 =	smulhi.u32 @!p1 $0x4924925, s14;
	_ =	sdelay $0x1  }
0x21: {  	s15 =	smul.u32 @!p1 $0x38, s15  }
0x22: {  	s16 =	sxor.u32 @!p1 $0xFFFFFFFF, s11;
	s17 =	smul.u32 @!p1 $0x380, s10  }
0x23: {  	s31 =	sadd.s32 $0xFFFFFFFF, s11;
	s16 =	sshll.u32 @!p1 s16, $0xD;
	s14 =	ssub.s32 @!p1 s14, s15  }
0x24: {  	s15 =	sand.u32 @!p1 $0x2000, s16;
	s16 =	sadd.s32 @!p1 s6, s17;
	s14 =	sshll.u32 @!p1 s14, $0x4  }
0x25: {  	s17 =	simm.s32 @!p1 $0x1C00;
	s14 =	sadd.s32 @!p1 s14, s16;
	s16 =	simm.s32 @!p1 $0x40  }
0x26: {  	[tilespmem:s15], [sflag:$0x1] =	stream.strided.gather @!p1 [hbm4b:s14+s16], $0x2000, s17, s16, $0x38;
	[tilespmem:$0x8080] =	vst v63  }
0x27: {  	p1 =	sge.u32 s31, s5  }
.Ltmp2:
0x28: {  	_ = 	snop;
	(pc) =	sbr.rel @p1 .LBB1_5-.Ltmp2, $1  }
0x29: {  	_ =	sdelay $0x3  }
0x2a: {  	s14 =	simm.s32 $0x1  }
0x2b: {  	_ =	swait.ge [sflag:s4], $0x2000;
	s14 =	simm.s32 @!p0 $0x0  }
0x2c: {  	[sflag:s4] =	ssyncset.done $0x0;
	s15 =	sshll.u32 s14, $0xD  }
0x2d: {  	[sflag:s4] =	ssyncadd.s32 $0xFFFFE000;
	s18 =	sor.u32 $0x20, s15  }
0x2e: {  	s14 =	smul.u32 $0x8100, s14;
	v3 =	vld [tilespmem:s18+$0x10]  }
0x2f: {  	s30 =	sand.u32 $0x1, s11;
	v2 =	vld [tilespmem:s18+$0xFFFFFFF0]  }
0x30: {  	s15 =	smul.u32 $0x8100, s30;
	s14 =	sshrl.u32 s14, $0x2;
	v0 =	vld [tilespmem:s18+$0x0]  }
0x31: {  	v1 =	vld [tilespmem:s18+$0xFFFFFFE0];
	s16 =	sor.u32 $0x4000, s14  }
0x32: {  	s31 =	sshrl.u32 s15, $0x2;
	s15 =	sadd.s32 $0x0, s16  }
0x33: {  	s17 =	simm.s32 $0x4;
	s18 =	sadd.s32 $0x40, s18;
	s14 =	sor.u32 $0x4000, s31;
	[tilespmem:s15+$0x1830 ss:$0x81] =	vst.msk $0xffff, v3  }
.LBB1_3:
0x34: {  	v3 =	vld [tilespmem:s18+$0x10];
	p1 =	sne.s32 s17, $0x1FC;
	[tilespmem:s15+$0x810 ss:$0x81] =	vst.msk $0xffff, v2;
	s19 =	smov.u32 s17;
	s17 =	sadd.s32 $0x4, s17  }
.Ltmp3:
0x35: {  	v2 =	vld [tilespmem:s18+$0xFFFFFFF0];
	[tilespmem:s15+$0x1020 ss:$0x81] =	vst.msk $0xffff, v0;
	(pc) =	sbr.rel @p1 .LBB1_3-.Ltmp3, $4  }
0x36: {  	v0 =	vld [tilespmem:s18+$0x0];
	[tilespmem:s15+$0x0 ss:$0x81] =	vst.msk $0xffff, v1  }
0x37: {  	s15 =	sshra.s32 s19, $0x2;
	v1 =	vld [tilespmem:s18+$0xFFFFFFE0]  }
0x38: {  	s15 =	sadd.s32 s15, s16  }
0x39: {  	s18 =	sadd.s32 $0x40, s18;
	[tilespmem:s15+$0x1830 ss:$0x81] =	vst.msk $0xffff, v3  }
.Ltmp4:
0x3a: {  	_ = 	snop;
	(pc) =	sbr.rel .LBB1_4-.Ltmp4, $1  }
0x3b: {  	_ =	sdelay $0x3  }
.LBB1_6:
0x3c: {  	_ =	sfence.sel $0x180000  }
0x3d: {  	s2 =	simm.s32 $0x1;
	[bflag:$0x0] =	sbarrier.arrive $0xFFFF  }
0x3e: {  	s31 =	simm.s32 $0x2;
	[sflag:s2] =	ssyncpa.u1 $0x1  }
0x3f: {  	[sflag:s31] =	ssyncpa.u1 $0x1  }
0x40: {  	p0 =	sne.s32 s0, $0x0;
	_ =	strace $0x9000004A  }
0x41: {  	s0 =	sadd.s32 @!p0 $0x100000, s1;
	[bflag:$0x2] =	sbarrier.arrive $0xFFFF  }
0x42: {  	[sflag:s0] =	ssyncadd.tile.s32 @!p0 $0x1;
	_ =	shalt  }
.Lfunc_end1:
_tile_overlayer_lowered:
.L_overlay_start_2:
0x43: {  	(tag) =	ssettag $0x2  }
0x44: {  	s0 =	rddreg [dreg:$0x0];
	s2 =	stileid.u32  }
0x45: {  	s1 =	rddreg [dreg:$0x1];
	p0 =	sne.s32 s2, $0x0  }
0x46: {  	s3 =	rddreg [dreg:$0x2];
	[bflag:$0x3] =	sbarrier.arrive $0xFFFF;
	s2 =	simm.s32 @!p0 $0x1C01  }
0x47: {  	[timem:s3], [sflag:s2] =	dma.local @!p0 [hbm:s0], s1  }
0x48: {  	s0 =	simm.s32 @!p0 $0x1  }
0x49: {  	_ =	swait.ge @!p0 [sflag:s0], s1  }
0x4a: {  	s1 =	ssub.s32 @!p0 $0x0, s1;
	[sflag:s0] =	ssyncset.done @!p0 $0x0  }
0x4b: {  	[sflag:s0] =	ssyncadd.s32 @!p0 s1  }
0x4c: {  	[bflag:$0x3] =	sbarrier.arrive $0xFFFF  }
0x4d: {  	_ =	shalt  }

</sc_bundles>
